<compile_context>
chip_gen: v7x
topology: tpu7x:2x2x1
jax: 0.10.2.dev20260603
libtpu: 0.0.44.dev20260713+nightly
codegen_flags: <defaults>
</compile_context>

<pallas_src>
import functools

import jax
import jax.numpy as jnp
from jax import lax
from jax.experimental import pallas as pl
from jax.experimental.pallas import tpu as pltpu
from jax.experimental.pallas import tpu_sc as plsc

NC = 2
NS = 16
NW = NC * NS
CH = 128
DEGW = 8
NB = 4


def _sc_mesh():
    return plsc.VectorSubcoreMesh(
        core_axis_name="c", subcore_axis_name="s",
        num_cores=NC, num_subcores=NS)


def _make_degree(NP, NCH):
    RP = NP // NS

    @functools.partial(
        pl.kernel,
        out_type=(jax.ShapeDtypeStruct((NP, DEGW), jnp.float32),
                  jax.ShapeDtypeStruct((NP, DEGW), jnp.float32)),
        mesh=_sc_mesh(),
        compiler_params=pltpu.CompilerParams(use_tc_tiling_on_sc=False),
        scratch_types=[
            pltpu.VMEM((NCH, CH), jnp.int32),
            pltpu.VMEM((CH, DEGW), jnp.float32),
            pltpu.VMEM_SHARED((NP, DEGW), jnp.float32),
            pltpu.SemaphoreType.DMA,
        ],
    )
    def deg_kernel(dst_hbm, z_hbm, ones_hbm, out0, out1, dst_v, ones_v, acc,
                   sem):
        c = lax.axis_index("c")
        s = lax.axis_index("s")
        rows = pl.ds(s * RP, RP)
        pltpu.sync_copy(z_hbm.at[rows], acc.at[rows])
        pltpu.sync_copy(ones_hbm, ones_v)
        pltpu.sync_copy(dst_hbm.at[c * NS + s], dst_v)
        plsc.subcore_barrier()

        def fire(j, carry):
            pltpu.async_copy(ones_v, acc.at[dst_v.at[j]], sem, add=True)
            return carry

        lax.fori_loop(0, NCH, fire, 0)

        def drain(j, carry):
            pltpu.make_async_copy(ones_v, acc.at[dst_v.at[0]], sem).wait()
            return carry

        lax.fori_loop(0, NCH, drain, 0)
        plsc.subcore_barrier()

        @pl.when(c == 0)
        def _():
            pltpu.sync_copy(acc.at[rows], out0.at[rows])

        @pl.when(c == 1)
        def _():
            pltpu.sync_copy(acc.at[rows], out1.at[rows])

    return deg_kernel


def _make_conv(NP, NCH, H):
    RP = NP // NS

    @functools.partial(
        pl.kernel,
        out_type=(jax.ShapeDtypeStruct((NP, H), jnp.float32),
                  jax.ShapeDtypeStruct((NP, H), jnp.float32)),
        mesh=_sc_mesh(),
        compiler_params=pltpu.CompilerParams(use_tc_tiling_on_sc=False),
        scratch_types=[
            pltpu.VMEM((NCH, CH), jnp.int32),
            pltpu.VMEM((NCH, CH), jnp.int32),
            [pltpu.VMEM((CH, H), jnp.float32) for _ in range(NB)],
            pltpu.VMEM_SHARED((NP, H), jnp.float32),
            [pltpu.SemaphoreType.DMA for _ in range(NB)],
            [pltpu.SemaphoreType.DMA for _ in range(NB)],
        ],
    )
    def conv_kernel(tab_hbm, src_hbm, dst_hbm, z_hbm, out0, out1,
                    src_v, dst_v, bufs, acc, sg, ss):
        c = lax.axis_index("c")
        s = lax.axis_index("s")
        rows = pl.ds(s * RP, RP)
        pltpu.sync_copy(z_hbm.at[rows], acc.at[rows])
        pltpu.sync_copy(src_hbm.at[c * NS + s], src_v)
        pltpu.sync_copy(dst_hbm.at[c * NS + s], dst_v)
        plsc.subcore_barrier()

        NG = NCH // NB

        def gathers(g):
            for b in range(NB):
                pltpu.async_copy(
                    tab_hbm.at[src_v.at[g * NB + b]], bufs[b], sg[b])

        gathers(0)

        def group(g, carry):
            for b in range(NB):
                j = g * NB + b
                pltpu.make_async_copy(
                    tab_hbm.at[src_v.at[j]], bufs[b], sg[b]).wait()
                pltpu.async_copy(
                    bufs[b], acc.at[dst_v.at[j]], ss[b], add=True)
            for b in range(NB):
                j = g * NB + b
                pltpu.make_async_copy(
                    bufs[b], acc.at[dst_v.at[j]], ss[b]).wait()

                @pl.when(g + 1 < NG)
                def _():
                    pltpu.async_copy(
                        tab_hbm.at[src_v.at[(g + 1) * NB + b]],
                        bufs[b], sg[b])

            return carry

        lax.fori_loop(0, NG, group, 0)
        plsc.subcore_barrier()

        @pl.when(c == 0)
        def _():
            pltpu.sync_copy(acc.at[rows], out0.at[rows])

        @pl.when(c == 1)
        def _():
            pltpu.sync_copy(acc.at[rows], out1.at[rows])

    return conv_kernel


def _stage1(xp, W1, d0, d1, N, NP, H):
    def body(x_ref, w_ref, d0_ref, d1_ref, h_ref, ht_ref):
        deg = d0_ref[:, 0:1] + d1_ref[:, 0:1] + 1.0
        dis = lax.rsqrt(deg)
        h = jnp.dot(x_ref[...], w_ref[...], preferred_element_type=jnp.float32)
        mask = lax.broadcasted_iota(jnp.int32, (NP, 1), 0) < N
        h_ref[...] = h
        ht_ref[...] = jnp.where(mask, h * dis, 0.0)

    return pl.pallas_call(
        body,
        out_shape=(jax.ShapeDtypeStruct((NP, H), jnp.float32),
                   jax.ShapeDtypeStruct((NP, H), jnp.float32)),
    )(xp, W1, d0, d1)


def _stage2(a0, a1, h1, d0, d1, b1, W2, N, NP, H):
    def body(a0_ref, a1_ref, h1_ref, d0_ref, d1_ref, b1_ref, w2_ref,
             h2_ref, ht_ref):
        deg = d0_ref[:, 0:1] + d1_ref[:, 0:1] + 1.0
        dis = lax.rsqrt(deg)
        inv = dis * dis
        o = dis * (a0_ref[...] + a1_ref[...]) + h1_ref[...] * inv + b1_ref[...]
        g = jnp.maximum(o, 0.0)
        h2 = jnp.dot(g, w2_ref[...], preferred_element_type=jnp.float32)
        mask = lax.broadcasted_iota(jnp.int32, (NP, 1), 0) < N
        h2_ref[...] = h2
        ht_ref[...] = jnp.where(mask, h2 * dis, 0.0)

    return pl.pallas_call(
        body,
        out_shape=(jax.ShapeDtypeStruct((NP, H), jnp.float32),
                   jax.ShapeDtypeStruct((NP, H), jnp.float32)),
    )(a0, a1, h1, d0, d1, b1, W2)


def _stage3(a0, a1, h2, d0, d1, b2, bt, Wm1, bm1, Wm2, bm2, NP, H, G):
    def body(a0_ref, a1_ref, h2_ref, d0_ref, d1_ref, b2_ref, bt_ref,
             wm1_ref, bm1_ref, wm2_ref, bm2_ref, out_ref):
        deg = d0_ref[:, 0:1] + d1_ref[:, 0:1] + 1.0
        dis = lax.rsqrt(deg)
        inv = dis * dis
        o = dis * (a0_ref[...] + a1_ref[...]) + h2_ref[...] * inv + b2_ref[...]
        gid = lax.broadcasted_iota(jnp.int32, (G, NP), 0)
        onehot = (gid == jnp.broadcast_to(bt_ref[...], (G, NP))
                  ).astype(jnp.float32)
        sums = jnp.dot(onehot, o, preferred_element_type=jnp.float32)
        counts = jnp.sum(onehot, axis=1, keepdims=True)
        pooled = sums / jnp.maximum(counts, 1.0)
        z = jnp.maximum(
            jnp.dot(pooled, wm1_ref[...], preferred_element_type=jnp.float32)
            + bm1_ref[...], 0.0)
        t = (jnp.dot(z, wm2_ref[...], preferred_element_type=jnp.float32)
             + bm2_ref[...])
        out_ref[...] = 1.0 / (1.0 + jnp.exp(-t))

    return pl.pallas_call(
        body,
        out_shape=jax.ShapeDtypeStruct((G, 1), jnp.float32),
    )(a0, a1, h2, d0, d1, b2, bt, Wm1, bm1, Wm2, bm2)


def kernel(x, edge_index, batch, W1, b1, W2, b2, Wm1, bm1, Wm2, bm2):
    N, D = x.shape
    H = W1.shape[1]
    G = 64
    E = edge_index.shape[1]
    NCH = -(-E // (NW * CH))
    NCH = NB * (-(-NCH // NB))
    EP = NW * NCH * CH
    NP = (NS * 8) * (-(-(N + 1) // (NS * 8)))

    ei = edge_index.astype(jnp.int32)
    pad = N + jnp.arange(EP - E, dtype=jnp.int32) % (NP - N)
    src = jnp.concatenate([ei[0], pad]).reshape(NW, NCH, CH)
    dst = jnp.concatenate([ei[1], pad]).reshape(NW, NCH, CH)
    xp = jnp.zeros((NP, D), jnp.float32).at[:N].set(x)
    bt = jnp.full((1, NP), G, jnp.int32).at[0, :N].set(batch.astype(jnp.int32))
    zH = jnp.zeros((NP, H), jnp.float32)
    zD = jnp.zeros((NP, DEGW), jnp.float32)
    oD = jnp.ones((CH, DEGW), jnp.float32)

    d0, d1 = _make_degree(NP, NCH)(dst, zD, oD)
    h1, ht1 = _stage1(xp, W1, d0, d1, N, NP, H)
    conv = _make_conv(NP, NCH, H)
    a0, a1 = conv(ht1, src, dst, zH)
    h2, ht2 = _stage2(a0, a1, h1, d0, d1, b1.reshape(1, H), W2, N, NP, H)
    a0, a1 = conv(ht2, src, dst, zH)
    return _stage3(a0, a1, h2, d0, d1, b2.reshape(1, H), bt,
                   Wm1, bm1.reshape(1, H), Wm2, bm2.reshape(1, 1), NP, H, G)

# --- scband reference (transcript-rebuilt; emitter-appended) ---
"""Pipeline reference for scband-simple-gcn-27788438405232 (READ-ONLY COPY).

The authoritative reference and input builder live on the scoring server;
editing this copy changes nothing except your own understanding.
"""

import jax, jax.numpy as jnp
import numpy as np

N_NODES = 10000
N_EDGES = 320000
D_FEAT = 128
HIDDEN = 32
N_GRAPHS = 64


def setup_inputs(seed: int = 0) -> dict:
    key = jax.random.key(seed)
    ks = jax.random.split(key, 12)
    x = jax.random.normal(ks[0], (N_NODES, D_FEAT), dtype=jnp.float32)
    edge_index = jax.random.randint(ks[1], (2, N_EDGES), 0, N_NODES)
    batch = jnp.sort(jax.random.randint(ks[2], (N_NODES,), 0, N_GRAPHS))
    # GCNConv1: featurenum -> 32
    W1 = jax.random.normal(ks[3], (D_FEAT, HIDDEN), dtype=jnp.float32) * (1.0 / np.sqrt(D_FEAT))
    b1 = jnp.zeros((HIDDEN,), dtype=jnp.float32)
    # GCNConv2: 32 -> 32
    W2 = jax.random.normal(ks[4], (HIDDEN, HIDDEN), dtype=jnp.float32) * (1.0 / np.sqrt(HIDDEN))
    b2 = jnp.zeros((HIDDEN,), dtype=jnp.float32)
    # MLP: Linear(32,32), ReLU, Linear(32,1)
    Wm1 = jax.random.normal(ks[5], (HIDDEN, HIDDEN), dtype=jnp.float32) * (1.0 / np.sqrt(HIDDEN))
    bm1 = jnp.zeros((HIDDEN,), dtype=jnp.float32)
    Wm2 = jax.random.normal(ks[6], (HIDDEN, 1), dtype=jnp.float32) * (1.0 / np.sqrt(HIDDEN))
    bm2 = jnp.zeros((1,), dtype=jnp.float32)
    return {"x": x, "edge_index": edge_index, "batch": batch,
            "W1": W1, "b1": b1, "W2": W2, "b2": b2,
            "Wm1": Wm1, "bm1": bm1, "Wm2": Wm2, "bm2": bm2}


def _gcn_conv(x, edge_index, W, b, num_nodes):
    # x' = D^{-1/2} (A + I) D^{-1/2} (x W) + b  (PyG GCNConv default: add_self_loops=True, normalize=True)
    h = x @ W
    loop = jnp.arange(num_nodes, dtype=edge_index.dtype)
    src = jnp.concatenate([edge_index[0], loop])
    dst = jnp.concatenate([edge_index[1], loop])
    deg = jnp.zeros((num_nodes,), dtype=h.dtype).at[dst].add(1.0)
    deg_inv_sqrt = jnp.where(deg > 0, jax.lax.rsqrt(jnp.maximum(deg, 1e-12)), 0.0)
    norm = deg_inv_sqrt[src] * deg_inv_sqrt[dst]
    msgs = h[src] * norm[:, None]
    out = jnp.zeros((num_nodes, h.shape[1]), dtype=h.dtype).at[dst].add(msgs)
    return out + b


def reference(x, edge_index, batch, W1, b1, W2, b2, Wm1, bm1, Wm2, bm2):
    num_nodes = x.shape[0]
    h = _gcn_conv(x, edge_index, W1, b1, num_nodes)
    h = jax.nn.relu(h)
    h = _gcn_conv(h, edge_index, W2, b2, num_nodes)
    # global_mean_pool over batch assignment
    sums = jax.ops.segment_sum(h, batch, num_segments=N_GRAPHS)
    counts = jax.ops.segment_sum(jnp.ones((num_nodes,), dtype=h.dtype), batch, num_segments=N_GRAPHS)
    pooled = sums / jnp.maximum(counts, 1.0)[:, None]
    # MLP head
    z = jax.nn.relu(pooled @ Wm1 + bm1)
    z = z @ Wm2 + bm2
    return jax.nn.sigmoid(z)

if __name__ == "__main__":
    import jax
    _d = setup_inputs()
    print(jax.jit(kernel)(*tuple(_d.values())))

</pallas_src>

<mosaic_0001>
#map = affine_map<(d0, d1) -> (0, 0)>
#map1 = affine_map<(d0, d1) -> (0, 0, 0)>
module attributes {stable_mosaic.version = 14 : i64} {
  func.func @conv_kernel(%arg0: i32, %arg1: i32, %arg2: memref<10112x32xf32, #tpu.memory_space<hbm>>, %arg3: memref<32x80x128xi32, #tpu.memory_space<hbm>>, %arg4: memref<32x80x128xi32, #tpu.memory_space<hbm>>, %arg5: memref<10112x32xf32, #tpu.memory_space<hbm>>, %arg6: memref<10112x32xf32, #tpu.memory_space<hbm>>, %arg7: memref<10112x32xf32, #tpu.memory_space<hbm>>, %arg8: memref<80x128xi32, #tpu.memory_space<vmem>>, %arg9: memref<80x128xi32, #tpu.memory_space<vmem>>, %arg10: memref<128x32xf32, #tpu.memory_space<vmem>>, %arg11: memref<128x32xf32, #tpu.memory_space<vmem>>, %arg12: memref<128x32xf32, #tpu.memory_space<vmem>>, %arg13: memref<128x32xf32, #tpu.memory_space<vmem>>, %arg14: memref<10112x32xf32, #tpu.memory_space<vmem_shared>>, %arg15: memref<!tpu.dma_semaphore, #tpu.memory_space<semaphore_mem>>, %arg16: memref<!tpu.dma_semaphore, #tpu.memory_space<semaphore_mem>>, %arg17: memref<!tpu.dma_semaphore, #tpu.memory_space<semaphore_mem>>, %arg18: memref<!tpu.dma_semaphore, #tpu.memory_space<semaphore_mem>>, %arg19: memref<!tpu.dma_semaphore, #tpu.memory_space<semaphore_mem>>, %arg20: memref<!tpu.dma_semaphore, #tpu.memory_space<semaphore_mem>>, %arg21: memref<!tpu.dma_semaphore, #tpu.memory_space<semaphore_mem>>, %arg22: memref<!tpu.dma_semaphore, #tpu.memory_space<semaphore_mem>>) attributes {dimension_semantics = [#tpu.dimension_semantics<core_parallel>, #tpu.dimension_semantics<subcore_parallel>], iteration_bounds = array<i64: 2, 16>, scalar_prefetch = 0 : i64, scratch_operands = 15 : i64, tpu.core_type = #tpu.core_type<sc_vector_subcore>, window_params = [{transform_indices = #map}, {transform_indices = #map1}, {transform_indices = #map1}, {transform_indices = #map}, {transform_indices = #map}, {transform_indices = #map}]} {
    %mul3A = arith.constant 632 : i32
    %mul3A_0 = arith.muli %arg1, %mul3A : i32
    "tpu.region"() ({
      %run_scoped3A = tpu.sem_alloc : memref<!tpu.dma_semaphore, #tpu.memory_space<semaphore_mem>>
      %dma_start3A_46 = arith.constant 0 : i32
      %dma_start3A_47 = tpu.memref_slice %arg14[%mul3A_0, %dma_start3A_46] : memref<10112x32xf32, #tpu.memory_space<vmem_shared>> -> memref<632x32xf32, #tpu.memory_space<vmem_shared>>
      %dma_start3A_48 = arith.constant 0 : i32
      %dma_start3A_49 = tpu.memref_slice %arg5[%mul3A_0, %dma_start3A_48] : memref<10112x32xf32, #tpu.memory_space<hbm>> -> memref<632x32xf32, #tpu.memory_space<hbm>>
      tpu.enqueue_dma source(%dma_start3A_49 : memref<632x32xf32, #tpu.memory_space<hbm>>) target(%dma_start3A_47 : memref<632x32xf32, #tpu.memory_space<vmem_shared>>) target_semaphore(%run_scoped3A : memref<!tpu.dma_semaphore, #tpu.memory_space<semaphore_mem>>)
      %dma_wait3A = arith.constant 0 : i32
      %dma_wait3A_50 = tpu.memref_slice %arg14[%mul3A_0, %dma_wait3A] : memref<10112x32xf32, #tpu.memory_space<vmem_shared>> -> memref<632x32xf32, #tpu.memory_space<vmem_shared>>
      %dma_wait3A_51 = arith.constant 0 : i32
      %dma_wait3A_52 = tpu.memref_slice %arg5[%mul3A_0, %dma_wait3A_51] : memref<10112x32xf32, #tpu.memory_space<hbm>> -> memref<632x32xf32, #tpu.memory_space<hbm>>
      tpu.wait_dma2 semaphore(%run_scoped3A : memref<!tpu.dma_semaphore, #tpu.memory_space<semaphore_mem>>) src(%dma_wait3A_52 : memref<632x32xf32, #tpu.memory_space<hbm>>) dst(%dma_wait3A_50 : memref<632x32xf32, #tpu.memory_space<vmem_shared>>)
      tpu.yield
    }) : () -> ()
    %mul3A_1 = arith.constant 16 : i32
    %mul3A_2 = arith.muli %arg0, %mul3A_1 : i32
    %add3A = arith.addi %mul3A_2, %arg1 : i32
    "tpu.region"() ({
      %run_scoped3A = tpu.sem_alloc : memref<!tpu.dma_semaphore, #tpu.memory_space<semaphore_mem>>
      %dma_start3A_46 = arith.constant 0 : i32
      %dma_start3A_47 = arith.constant 0 : i32
      %dma_start3A_48 = tpu.memref_slice %arg3[%add3A, %dma_start3A_46, %dma_start3A_47] : memref<32x80x128xi32, #tpu.memory_space<hbm>> -> memref<1x80x128xi32, #tpu.memory_space<hbm>>
      %dma_start3A_49 = tpu.memref_squeeze %dma_start3A_48 : memref<1x80x128xi32, #tpu.memory_space<hbm>> -> memref<80x128xi32, #tpu.memory_space<hbm>>
      %dma_start3A_50 = arith.constant 0 : i32
      %dma_start3A_51 = arith.constant 0 : i32
      %dma_start3A_52 = tpu.memref_slice %arg3[%add3A, %dma_start3A_50, %dma_start3A_51] : memref<32x80x128xi32, #tpu.memory_space<hbm>> -> memref<1x80x128xi32, #tpu.memory_space<hbm>>
      %dma_start3A_53 = tpu.memref_squeeze %dma_start3A_52 : memref<1x80x128xi32, #tpu.memory_space<hbm>> -> memref<80x128xi32, #tpu.memory_space<hbm>>
      tpu.enqueue_dma source(%dma_start3A_53 : memref<80x128xi32, #tpu.memory_space<hbm>>) target(%arg8 : memref<80x128xi32, #tpu.memory_space<vmem>>) target_semaphore(%run_scoped3A : memref<!tpu.dma_semaphore, #tpu.memory_space<semaphore_mem>>)
      %dma_wait3A = arith.constant 0 : i32
      %dma_wait3A_54 = arith.constant 0 : i32
      %dma_wait3A_55 = tpu.memref_slice %arg3[%add3A, %dma_wait3A, %dma_wait3A_54] : memref<32x80x128xi32, #tpu.memory_space<hbm>> -> memref<1x80x128xi32, #tpu.memory_space<hbm>>
      %dma_wait3A_56 = tpu.memref_squeeze %dma_wait3A_55 : memref<1x80x128xi32, #tpu.memory_space<hbm>> -> memref<80x128xi32, #tpu.memory_space<hbm>>
      %dma_wait3A_57 = arith.constant 0 : i32
      %dma_wait3A_58 = arith.constant 0 : i32
      %dma_wait3A_59 = tpu.memref_slice %arg3[%add3A, %dma_wait3A_57, %dma_wait3A_58] : memref<32x80x128xi32, #tpu.memory_space<hbm>> -> memref<1x80x128xi32, #tpu.memory_space<hbm>>
      %dma_wait3A_60 = tpu.memref_squeeze %dma_wait3A_59 : memref<1x80x128xi32, #tpu.memory_space<hbm>> -> memref<80x128xi32, #tpu.memory_space<hbm>>
      tpu.wait_dma2 semaphore(%run_scoped3A : memref<!tpu.dma_semaphore, #tpu.memory_space<semaphore_mem>>) src(%dma_wait3A_60 : memref<80x128xi32, #tpu.memory_space<hbm>>) dst(%arg8 : memref<80x128xi32, #tpu.memory_space<vmem>>)
      tpu.yield
    }) : () -> ()
    %mul3A_3 = arith.constant 16 : i32
    %mul3A_4 = arith.muli %arg0, %mul3A_3 : i32
    %add3A_5 = arith.addi %mul3A_4, %arg1 : i32
    "tpu.region"() ({
      %run_scoped3A = tpu.sem_alloc : memref<!tpu.dma_semaphore, #tpu.memory_space<semaphore_mem>>
      %dma_start3A_46 = arith.constant 0 : i32
      %dma_start3A_47 = arith.constant 0 : i32
      %dma_start3A_48 = tpu.memref_slice %arg4[%add3A_5, %dma_start3A_46, %dma_start3A_47] : memref<32x80x128xi32, #tpu.memory_space<hbm>> -> memref<1x80x128xi32, #tpu.memory_space<hbm>>
      %dma_start3A_49 = tpu.memref_squeeze %dma_start3A_48 : memref<1x80x128xi32, #tpu.memory_space<hbm>> -> memref<80x128xi32, #tpu.memory_space<hbm>>
      %dma_start3A_50 = arith.constant 0 : i32
      %dma_start3A_51 = arith.constant 0 : i32
      %dma_start3A_52 = tpu.memref_slice %arg4[%add3A_5, %dma_start3A_50, %dma_start3A_51] : memref<32x80x128xi32, #tpu.memory_space<hbm>> -> memref<1x80x128xi32, #tpu.memory_space<hbm>>
      %dma_start3A_53 = tpu.memref_squeeze %dma_start3A_52 : memref<1x80x128xi32, #tpu.memory_space<hbm>> -> memref<80x128xi32, #tpu.memory_space<hbm>>
      tpu.enqueue_dma source(%dma_start3A_53 : memref<80x128xi32, #tpu.memory_space<hbm>>) target(%arg9 : memref<80x128xi32, #tpu.memory_space<vmem>>) target_semaphore(%run_scoped3A : memref<!tpu.dma_semaphore, #tpu.memory_space<semaphore_mem>>)
      %dma_wait3A = arith.constant 0 : i32
      %dma_wait3A_54 = arith.constant 0 : i32
      %dma_wait3A_55 = tpu.memref_slice %arg4[%add3A_5, %dma_wait3A, %dma_wait3A_54] : memref<32x80x128xi32, #tpu.memory_space<hbm>> -> memref<1x80x128xi32, #tpu.memory_space<hbm>>
      %dma_wait3A_56 = tpu.memref_squeeze %dma_wait3A_55 : memref<1x80x128xi32, #tpu.memory_space<hbm>> -> memref<80x128xi32, #tpu.memory_space<hbm>>
      %dma_wait3A_57 = arith.constant 0 : i32
      %dma_wait3A_58 = arith.constant 0 : i32
      %dma_wait3A_59 = tpu.memref_slice %arg4[%add3A_5, %dma_wait3A_57, %dma_wait3A_58] : memref<32x80x128xi32, #tpu.memory_space<hbm>> -> memref<1x80x128xi32, #tpu.memory_space<hbm>>
      %dma_wait3A_60 = tpu.memref_squeeze %dma_wait3A_59 : memref<1x80x128xi32, #tpu.memory_space<hbm>> -> memref<80x128xi32, #tpu.memory_space<hbm>>
      tpu.wait_dma2 semaphore(%run_scoped3A : memref<!tpu.dma_semaphore, #tpu.memory_space<semaphore_mem>>) src(%dma_wait3A_60 : memref<80x128xi32, #tpu.memory_space<hbm>>) dst(%arg9 : memref<80x128xi32, #tpu.memory_space<vmem>>)
      tpu.yield
    }) : () -> ()
    %barrier3A = arith.constant 0 : index
    tpu.barrier barrier_id(%barrier3A)
    %dma_start3A = arith.constant 0 : i32
    %dma_start3A_6 = arith.constant 0 : i32
    %dma_start3A_7 = tpu.memref_slice %arg8[%dma_start3A, %dma_start3A_6] : memref<80x128xi32, #tpu.memory_space<vmem>> -> memref<1x128xi32, #tpu.memory_space<vmem>>
    %dma_start3A_8 = tpu.memref_squeeze %dma_start3A_7 : memref<1x128xi32, #tpu.memory_space<vmem>> -> memref<128xi32, #tpu.memory_space<vmem>>
    %dma_start3A_9 = arith.constant 0 : i32
    %dma_start3A_10 = arith.constant 0 : i32
    %dma_start3A_11 = tpu.memref_slice %arg2[%dma_start3A_9, %dma_start3A_10] : memref<10112x32xf32, #tpu.memory_space<hbm>> -> memref<10112x32xf32, #tpu.memory_space<hbm>>
    tpu.enqueue_indirect_dma source(%dma_start3A_11 : memref<10112x32xf32, #tpu.memory_space<hbm>>) target(%arg10 : memref<128x32xf32, #tpu.memory_space<vmem>>) offsets(%dma_start3A_8 : memref<128xi32, #tpu.memory_space<vmem>>) semaphore(%arg15 : memref<!tpu.dma_semaphore, #tpu.memory_space<semaphore_mem>>)
    %dma_start3A_12 = arith.constant 1 : i32
    %dma_start3A_13 = arith.constant 0 : i32
    %dma_start3A_14 = tpu.memref_slice %arg8[%dma_start3A_12, %dma_start3A_13] : memref<80x128xi32, #tpu.memory_space<vmem>> -> memref<1x128xi32, #tpu.memory_space<vmem>>
    %dma_start3A_15 = tpu.memref_squeeze %dma_start3A_14 : memref<1x128xi32, #tpu.memory_space<vmem>> -> memref<128xi32, #tpu.memory_space<vmem>>
    %dma_start3A_16 = arith.constant 0 : i32
    %dma_start3A_17 = arith.constant 0 : i32
    %dma_start3A_18 = tpu.memref_slice %arg2[%dma_start3A_16, %dma_start3A_17] : memref<10112x32xf32, #tpu.memory_space<hbm>> -> memref<10112x32xf32, #tpu.memory_space<hbm>>
    tpu.enqueue_indirect_dma source(%dma_start3A_18 : memref<10112x32xf32, #tpu.memory_space<hbm>>) target(%arg11 : memref<128x32xf32, #tpu.memory_space<vmem>>) offsets(%dma_start3A_15 : memref<128xi32, #tpu.memory_space<vmem>>) semaphore(%arg16 : memref<!tpu.dma_semaphore, #tpu.memory_space<semaphore_mem>>)
    %dma_start3A_19 = arith.constant 2 : i32
    %dma_start3A_20 = arith.constant 0 : i32
    %dma_start3A_21 = tpu.memref_slice %arg8[%dma_start3A_19, %dma_start3A_20] : memref<80x128xi32, #tpu.memory_space<vmem>> -> memref<1x128xi32, #tpu.memory_space<vmem>>
    %dma_start3A_22 = tpu.memref_squeeze %dma_start3A_21 : memref<1x128xi32, #tpu.memory_space<vmem>> -> memref<128xi32, #tpu.memory_space<vmem>>
    %dma_start3A_23 = arith.constant 0 : i32
    %dma_start3A_24 = arith.constant 0 : i32
    %dma_start3A_25 = tpu.memref_slice %arg2[%dma_start3A_23, %dma_start3A_24] : memref<10112x32xf32, #tpu.memory_space<hbm>> -> memref<10112x32xf32, #tpu.memory_space<hbm>>
    tpu.enqueue_indirect_dma source(%dma_start3A_25 : memref<10112x32xf32, #tpu.memory_space<hbm>>) target(%arg12 : memref<128x32xf32, #tpu.memory_space<vmem>>) offsets(%dma_start3A_22 : memref<128xi32, #tpu.memory_space<vmem>>) semaphore(%arg17 : memref<!tpu.dma_semaphore, #tpu.memory_space<semaphore_mem>>)
    %dma_start3A_26 = arith.constant 3 : i32
    %dma_start3A_27 = arith.constant 0 : i32
    %dma_start3A_28 = tpu.memref_slice %arg8[%dma_start3A_26, %dma_start3A_27] : memref<80x128xi32, #tpu.memory_space<vmem>> -> memref<1x128xi32, #tpu.memory_space<vmem>>
    %dma_start3A_29 = tpu.memref_squeeze %dma_start3A_28 : memref<1x128xi32, #tpu.memory_space<vmem>> -> memref<128xi32, #tpu.memory_space<vmem>>
    %dma_start3A_30 = arith.constant 0 : i32
    %dma_start3A_31 = arith.constant 0 : i32
    %dma_start3A_32 = tpu.memref_slice %arg2[%dma_start3A_30, %dma_start3A_31] : memref<10112x32xf32, #tpu.memory_space<hbm>> -> memref<10112x32xf32, #tpu.memory_space<hbm>>
    tpu.enqueue_indirect_dma source(%dma_start3A_32 : memref<10112x32xf32, #tpu.memory_space<hbm>>) target(%arg13 : memref<128x32xf32, #tpu.memory_space<vmem>>) offsets(%dma_start3A_29 : memref<128xi32, #tpu.memory_space<vmem>>) semaphore(%arg18 : memref<!tpu.dma_semaphore, #tpu.memory_space<semaphore_mem>>)
    %scan3A = arith.constant 0 : i32
    %scan3A_33 = arith.constant 0 : i32
    %scan3A_34 = arith.constant 20 : i32
    %scan3A_35 = arith.addi %scan3A_33, %scan3A_34 : i32
    %scan3A_36 = arith.constant 1 : i32
    scf.for %scan3A_46 = %scan3A_33 to %scan3A_35 step %scan3A_36  : i32 {
      %mul3A_47 = arith.constant 4 : i32
      %mul3A_48 = arith.muli %scan3A_46, %mul3A_47 : i32
      %add3A_49 = arith.constant 0 : i32
      %add3A_50 = arith.addi %mul3A_48, %add3A_49 : i32
      %dma_wait3A = arith.constant 0 : i32
      %dma_wait3A_51 = tpu.memref_slice %arg8[%add3A_50, %dma_wait3A] : memref<80x128xi32, #tpu.memory_space<vmem>> -> memref<1x128xi32, #tpu.memory_space<vmem>>
      %dma_wait3A_52 = tpu.memref_squeeze %dma_wait3A_51 : memref<1x128xi32, #tpu.memory_space<vmem>> -> memref<128xi32, #tpu.memory_space<vmem>>
      %dma_wait3A_53 = arith.constant 0 : i32
      %dma_wait3A_54 = arith.constant 0 : i32
      %dma_wait3A_55 = tpu.memref_slice %arg2[%dma_wait3A_53, %dma_wait3A_54] : memref<10112x32xf32, #tpu.memory_space<hbm>> -> memref<10112x32xf32, #tpu.memory_space<hbm>>
      tpu.wait_indirect_dma semaphore(%arg15 : memref<!tpu.dma_semaphore, #tpu.memory_space<semaphore_mem>>) src(%dma_wait3A_55 : memref<10112x32xf32, #tpu.memory_space<hbm>>) dst(%arg10 : memref<128x32xf32, #tpu.memory_space<vmem>>)
      %dma_start3A_56 = arith.constant 0 : i32
      %dma_start3A_57 = tpu.memref_slice %arg9[%add3A_50, %dma_start3A_56] : memref<80x128xi32, #tpu.memory_space<vmem>> -> memref<1x128xi32, #tpu.memory_space<vmem>>
      %dma_start3A_58 = tpu.memref_squeeze %dma_start3A_57 : memref<1x128xi32, #tpu.memory_space<vmem>> -> memref<128xi32, #tpu.memory_space<vmem>>
      %dma_start3A_59 = arith.constant 0 : i32
      %dma_start3A_60 = arith.constant 0 : i32
      %dma_start3A_61 = tpu.memref_slice %arg14[%dma_start3A_59, %dma_start3A_60] : memref<10112x32xf32, #tpu.memory_space<vmem_shared>> -> memref<10112x32xf32, #tpu.memory_space<vmem_shared>>
      tpu.enqueue_indirect_dma source(%arg10 : memref<128x32xf32, #tpu.memory_space<vmem>>) target(%dma_start3A_61 : memref<10112x32xf32, #tpu.memory_space<vmem_shared>>) offsets(%dma_start3A_58 : memref<128xi32, #tpu.memory_space<vmem>>) semaphore(%arg19 : memref<!tpu.dma_semaphore, #tpu.memory_space<semaphore_mem>>) {add = true}
      %mul3A_62 = arith.constant 4 : i32
      %mul3A_63 = arith.muli %scan3A_46, %mul3A_62 : i32
      %add3A_64 = arith.constant 1 : i32
      %add3A_65 = arith.addi %mul3A_63, %add3A_64 : i32
      %dma_wait3A_66 = arith.constant 0 : i32
      %dma_wait3A_67 = tpu.memref_slice %arg8[%add3A_65, %dma_wait3A_66] : memref<80x128xi32, #tpu.memory_space<vmem>> -> memref<1x128xi32, #tpu.memory_space<vmem>>
      %dma_wait3A_68 = tpu.memref_squeeze %dma_wait3A_67 : memref<1x128xi32, #tpu.memory_space<vmem>> -> memref<128xi32, #tpu.memory_space<vmem>>
      %dma_wait3A_69 = arith.constant 0 : i32
      %dma_wait3A_70 = arith.constant 0 : i32
      %dma_wait3A_71 = tpu.memref_slice %arg2[%dma_wait3A_69, %dma_wait3A_70] : memref<10112x32xf32, #tpu.memory_space<hbm>> -> memref<10112x32xf32, #tpu.memory_space<hbm>>
      tpu.wait_indirect_dma semaphore(%arg16 : memref<!tpu.dma_semaphore, #tpu.memory_space<semaphore_mem>>) src(%dma_wait3A_71 : memref<10112x32xf32, #tpu.memory_space<hbm>>) dst(%arg11 : memref<128x32xf32, #tpu.memory_space<vmem>>)
      %dma_start3A_72 = arith.constant 0 : i32
      %dma_start3A_73 = tpu.memref_slice %arg9[%add3A_65, %dma_start3A_72] : memref<80x128xi32, #tpu.memory_space<vmem>> -> memref<1x128xi32, #tpu.memory_space<vmem>>
      %dma_start3A_74 = tpu.memref_squeeze %dma_start3A_73 : memref<1x128xi32, #tpu.memory_space<vmem>> -> memref<128xi32, #tpu.memory_space<vmem>>
      %dma_start3A_75 = arith.constant 0 : i32
      %dma_start3A_76 = arith.constant 0 : i32
      %dma_start3A_77 = tpu.memref_slice %arg14[%dma_start3A_75, %dma_start3A_76] : memref<10112x32xf32, #tpu.memory_space<vmem_shared>> -> memref<10112x32xf32, #tpu.memory_space<vmem_shared>>
      tpu.enqueue_indirect_dma source(%arg11 : memref<128x32xf32, #tpu.memory_space<vmem>>) target(%dma_start3A_77 : memref<10112x32xf32, #tpu.memory_space<vmem_shared>>) offsets(%dma_start3A_74 : memref<128xi32, #tpu.memory_space<vmem>>) semaphore(%arg20 : memref<!tpu.dma_semaphore, #tpu.memory_space<semaphore_mem>>) {add = true}
      %mul3A_78 = arith.constant 4 : i32
      %mul3A_79 = arith.muli %scan3A_46, %mul3A_78 : i32
      %add3A_80 = arith.constant 2 : i32
      %add3A_81 = arith.addi %mul3A_79, %add3A_80 : i32
      %dma_wait3A_82 = arith.constant 0 : i32
      %dma_wait3A_83 = tpu.memref_slice %arg8[%add3A_81, %dma_wait3A_82] : memref<80x128xi32, #tpu.memory_space<vmem>> -> memref<1x128xi32, #tpu.memory_space<vmem>>
      %dma_wait3A_84 = tpu.memref_squeeze %dma_wait3A_83 : memref<1x128xi32, #tpu.memory_space<vmem>> -> memref<128xi32, #tpu.memory_space<vmem>>
      %dma_wait3A_85 = arith.constant 0 : i32
      %dma_wait3A_86 = arith.constant 0 : i32
      %dma_wait3A_87 = tpu.memref_slice %arg2[%dma_wait3A_85, %dma_wait3A_86] : memref<10112x32xf32, #tpu.memory_space<hbm>> -> memref<10112x32xf32, #tpu.memory_space<hbm>>
      tpu.wait_indirect_dma semaphore(%arg17 : memref<!tpu.dma_semaphore, #tpu.memory_space<semaphore_mem>>) src(%dma_wait3A_87 : memref<10112x32xf32, #tpu.memory_space<hbm>>) dst(%arg12 : memref<128x32xf32, #tpu.memory_space<vmem>>)
      %dma_start3A_88 = arith.constant 0 : i32
      %dma_start3A_89 = tpu.memref_slice %arg9[%add3A_81, %dma_start3A_88] : memref<80x128xi32, #tpu.memory_space<vmem>> -> memref<1x128xi32, #tpu.memory_space<vmem>>
      %dma_start3A_90 = tpu.memref_squeeze %dma_start3A_89 : memref<1x128xi32, #tpu.memory_space<vmem>> -> memref<128xi32, #tpu.memory_space<vmem>>
      %dma_start3A_91 = arith.constant 0 : i32
      %dma_start3A_92 = arith.constant 0 : i32
      %dma_start3A_93 = tpu.memref_slice %arg14[%dma_start3A_91, %dma_start3A_92] : memref<10112x32xf32, #tpu.memory_space<vmem_shared>> -> memref<10112x32xf32, #tpu.memory_space<vmem_shared>>
      tpu.enqueue_indirect_dma source(%arg12 : memref<128x32xf32, #tpu.memory_space<vmem>>) target(%dma_start3A_93 : memref<10112x32xf32, #tpu.memory_space<vmem_shared>>) offsets(%dma_start3A_90 : memref<128xi32, #tpu.memory_space<vmem>>) semaphore(%arg21 : memref<!tpu.dma_semaphore, #tpu.memory_space<semaphore_mem>>) {add = true}
      %mul3A_94 = arith.constant 4 : i32
      %mul3A_95 = arith.muli %scan3A_46, %mul3A_94 : i32
      %add3A_96 = arith.constant 3 : i32
      %add3A_97 = arith.addi %mul3A_95, %add3A_96 : i32
      %dma_wait3A_98 = arith.constant 0 : i32
      %dma_wait3A_99 = tpu.memref_slice %arg8[%add3A_97, %dma_wait3A_98] : memref<80x128xi32, #tpu.memory_space<vmem>> -> memref<1x128xi32, #tpu.memory_space<vmem>>
      %dma_wait3A_100 = tpu.memref_squeeze %dma_wait3A_99 : memref<1x128xi32, #tpu.memory_space<vmem>> -> memref<128xi32, #tpu.memory_space<vmem>>
      %dma_wait3A_101 = arith.constant 0 : i32
      %dma_wait3A_102 = arith.constant 0 : i32
      %dma_wait3A_103 = tpu.memref_slice %arg2[%dma_wait3A_101, %dma_wait3A_102] : memref<10112x32xf32, #tpu.memory_space<hbm>> -> memref<10112x32xf32, #tpu.memory_space<hbm>>
      tpu.wait_indirect_dma semaphore(%arg18 : memref<!tpu.dma_semaphore, #tpu.memory_space<semaphore_mem>>) src(%dma_wait3A_103 : memref<10112x32xf32, #tpu.memory_space<hbm>>) dst(%arg13 : memref<128x32xf32, #tpu.memory_space<vmem>>)
      %dma_start3A_104 = arith.constant 0 : i32
      %dma_start3A_105 = tpu.memref_slice %arg9[%add3A_97, %dma_start3A_104] : memref<80x128xi32, #tpu.memory_space<vmem>> -> memref<1x128xi32, #tpu.memory_space<vmem>>
      %dma_start3A_106 = tpu.memref_squeeze %dma_start3A_105 : memref<1x128xi32, #tpu.memory_space<vmem>> -> memref<128xi32, #tpu.memory_space<vmem>>
      %dma_start3A_107 = arith.constant 0 : i32
      %dma_start3A_108 = arith.constant 0 : i32
      %dma_start3A_109 = tpu.memref_slice %arg14[%dma_start3A_107, %dma_start3A_108] : memref<10112x32xf32, #tpu.memory_space<vmem_shared>> -> memref<10112x32xf32, #tpu.memory_space<vmem_shared>>
      tpu.enqueue_indirect_dma source(%arg13 : memref<128x32xf32, #tpu.memory_space<vmem>>) target(%dma_start3A_109 : memref<10112x32xf32, #tpu.memory_space<vmem_shared>>) offsets(%dma_start3A_106 : memref<128xi32, #tpu.memory_space<vmem>>) semaphore(%arg22 : memref<!tpu.dma_semaphore, #tpu.memory_space<semaphore_mem>>) {add = true}
      %mul3A_110 = arith.constant 4 : i32
      %mul3A_111 = arith.muli %scan3A_46, %mul3A_110 : i32
      %add3A_112 = arith.constant 0 : i32
      %add3A_113 = arith.addi %mul3A_111, %add3A_112 : i32
      %dma_wait3A_114 = arith.constant 0 : i32
      %dma_wait3A_115 = tpu.memref_slice %arg9[%add3A_113, %dma_wait3A_114] : memref<80x128xi32, #tpu.memory_space<vmem>> -> memref<1x128xi32, #tpu.memory_space<vmem>>
      %dma_wait3A_116 = tpu.memref_squeeze %dma_wait3A_115 : memref<1x128xi32, #tpu.memory_space<vmem>> -> memref<128xi32, #tpu.memory_space<vmem>>
      %dma_wait3A_117 = arith.constant 0 : i32
      %dma_wait3A_118 = arith.constant 0 : i32
      %dma_wait3A_119 = tpu.memref_slice %arg14[%dma_wait3A_117, %dma_wait3A_118] : memref<10112x32xf32, #tpu.memory_space<vmem_shared>> -> memref<10112x32xf32, #tpu.memory_space<vmem_shared>>
      tpu.wait_indirect_dma semaphore(%arg19 : memref<!tpu.dma_semaphore, #tpu.memory_space<semaphore_mem>>) src(%arg10 : memref<128x32xf32, #tpu.memory_space<vmem>>) dst(%dma_wait3A_119 : memref<10112x32xf32, #tpu.memory_space<vmem_shared>>)
      %add3A_120 = arith.constant 1 : i32
      %add3A_121 = arith.addi %scan3A_46, %add3A_120 : i32
      %lt3A = arith.constant 20 : i32
      %lt3A_122 = arith.cmpi slt, %add3A_121, %lt3A : i32
      %convert_element_type3A_123 = arith.extui %lt3A_122 : i1 to i32
      %cond3A_124 = arith.constant 0 : i32
      %cond3A_125 = arith.cmpi ne, %convert_element_type3A_123, %cond3A_124 : i32
      scf.if %cond3A_125 {
        %add3A_177 = arith.constant 1 : i32
        %add3A_178 = arith.addi %scan3A_46, %add3A_177 : i32
        %mul3A_179 = arith.constant 4 : i32
        %mul3A_180 = arith.muli %add3A_178, %mul3A_179 : i32
        %add3A_181 = arith.constant 0 : i32
        %add3A_182 = arith.addi %mul3A_180, %add3A_181 : i32
        %dma_start3A_183 = arith.constant 0 : i32
        %dma_start3A_184 = tpu.memref_slice %arg8[%add3A_182, %dma_start3A_183] : memref<80x128xi32, #tpu.memory_space<vmem>> -> memref<1x128xi32, #tpu.memory_space<vmem>>
        %dma_start3A_185 = tpu.memref_squeeze %dma_start3A_184 : memref<1x128xi32, #tpu.memory_space<vmem>> -> memref<128xi32, #tpu.memory_space<vmem>>
        %dma_start3A_186 = arith.constant 0 : i32
        %dma_start3A_187 = arith.constant 0 : i32
        %dma_start3A_188 = tpu.memref_slice %arg2[%dma_start3A_186, %dma_start3A_187] : memref<10112x32xf32, #tpu.memory_space<hbm>> -> memref<10112x32xf32, #tpu.memory_space<hbm>>
        tpu.enqueue_indirect_dma source(%dma_start3A_188 : memref<10112x32xf32, #tpu.memory_space<hbm>>) target(%arg10 : memref<128x32xf32, #tpu.memory_space<vmem>>) offsets(%dma_start3A_185 : memref<128xi32, #tpu.memory_space<vmem>>) semaphore(%arg15 : memref<!tpu.dma_semaphore, #tpu.memory_space<semaphore_mem>>)
      } else {
      }
      %mul3A_126 = arith.constant 4 : i32
      %mul3A_127 = arith.muli %scan3A_46, %mul3A_126 : i32
      %add3A_128 = arith.constant 1 : i32
      %add3A_129 = arith.addi %mul3A_127, %add3A_128 : i32
      %dma_wait3A_130 = arith.constant 0 : i32
      %dma_wait3A_131 = tpu.memref_slice %arg9[%add3A_129, %dma_wait3A_130] : memref<80x128xi32, #tpu.memory_space<vmem>> -> memref<1x128xi32, #tpu.memory_space<vmem>>
      %dma_wait3A_132 = tpu.memref_squeeze %dma_wait3A_131 : memref<1x128xi32, #tpu.memory_space<vmem>> -> memref<128xi32, #tpu.memory_space<vmem>>
      %dma_wait3A_133 = arith.constant 0 : i32
      %dma_wait3A_134 = arith.constant 0 : i32
      %dma_wait3A_135 = tpu.memref_slice %arg14[%dma_wait3A_133, %dma_wait3A_134] : memref<10112x32xf32, #tpu.memory_space<vmem_shared>> -> memref<10112x32xf32, #tpu.memory_space<vmem_shared>>
      tpu.wait_indirect_dma semaphore(%arg20 : memref<!tpu.dma_semaphore, #tpu.memory_space<semaphore_mem>>) src(%arg11 : memref<128x32xf32, #tpu.memory_space<vmem>>) dst(%dma_wait3A_135 : memref<10112x32xf32, #tpu.memory_space<vmem_shared>>)
      %add3A_136 = arith.constant 1 : i32
      %add3A_137 = arith.addi %scan3A_46, %add3A_136 : i32
      %lt3A_138 = arith.constant 20 : i32
      %lt3A_139 = arith.cmpi slt, %add3A_137, %lt3A_138 : i32
      %convert_element_type3A_140 = arith.extui %lt3A_139 : i1 to i32
      %cond3A_141 = arith.constant 0 : i32
      %cond3A_142 = arith.cmpi ne, %convert_element_type3A_140, %cond3A_141 : i32
      scf.if %cond3A_142 {
        %add3A_177 = arith.constant 1 : i32
        %add3A_178 = arith.addi %scan3A_46, %add3A_177 : i32
        %mul3A_179 = arith.constant 4 : i32
        %mul3A_180 = arith.muli %add3A_178, %mul3A_179 : i32
        %add3A_181 = arith.constant 1 : i32
        %add3A_182 = arith.addi %mul3A_180, %add3A_181 : i32
        %dma_start3A_183 = arith.constant 0 : i32
        %dma_start3A_184 = tpu.memref_slice %arg8[%add3A_182, %dma_start3A_183] : memref<80x128xi32, #tpu.memory_space<vmem>> -> memref<1x128xi32, #tpu.memory_space<vmem>>
        %dma_start3A_185 = tpu.memref_squeeze %dma_start3A_184 : memref<1x128xi32, #tpu.memory_space<vmem>> -> memref<128xi32, #tpu.memory_space<vmem>>
        %dma_start3A_186 = arith.constant 0 : i32
        %dma_start3A_187 = arith.constant 0 : i32
        %dma_start3A_188 = tpu.memref_slice %arg2[%dma_start3A_186, %dma_start3A_187] : memref<10112x32xf32, #tpu.memory_space<hbm>> -> memref<10112x32xf32, #tpu.memory_space<hbm>>
        tpu.enqueue_indirect_dma source(%dma_start3A_188 : memref<10112x32xf32, #tpu.memory_space<hbm>>) target(%arg11 : memref<128x32xf32, #tpu.memory_space<vmem>>) offsets(%dma_start3A_185 : memref<128xi32, #tpu.memory_space<vmem>>) semaphore(%arg16 : memref<!tpu.dma_semaphore, #tpu.memory_space<semaphore_mem>>)
      } else {
      }
      %mul3A_143 = arith.constant 4 : i32
      %mul3A_144 = arith.muli %scan3A_46, %mul3A_143 : i32
      %add3A_145 = arith.constant 2 : i32
      %add3A_146 = arith.addi %mul3A_144, %add3A_145 : i32
      %dma_wait3A_147 = arith.constant 0 : i32
      %dma_wait3A_148 = tpu.memref_slice %arg9[%add3A_146, %dma_wait3A_147] : memref<80x128xi32, #tpu.memory_space<vmem>> -> memref<1x128xi32, #tpu.memory_space<vmem>>
      %dma_wait3A_149 = tpu.memref_squeeze %dma_wait3A_148 : memref<1x128xi32, #tpu.memory_space<vmem>> -> memref<128xi32, #tpu.memory_space<vmem>>
      %dma_wait3A_150 = arith.constant 0 : i32
      %dma_wait3A_151 = arith.constant 0 : i32
      %dma_wait3A_152 = tpu.memref_slice %arg14[%dma_wait3A_150, %dma_wait3A_151] : memref<10112x32xf32, #tpu.memory_space<vmem_shared>> -> memref<10112x32xf32, #tpu.memory_space<vmem_shared>>
      tpu.wait_indirect_dma semaphore(%arg21 : memref<!tpu.dma_semaphore, #tpu.memory_space<semaphore_mem>>) src(%arg12 : memref<128x32xf32, #tpu.memory_space<vmem>>) dst(%dma_wait3A_152 : memref<10112x32xf32, #tpu.memory_space<vmem_shared>>)
      %add3A_153 = arith.constant 1 : i32
      %add3A_154 = arith.addi %scan3A_46, %add3A_153 : i32
      %lt3A_155 = arith.constant 20 : i32
      %lt3A_156 = arith.cmpi slt, %add3A_154, %lt3A_155 : i32
      %convert_element_type3A_157 = arith.extui %lt3A_156 : i1 to i32
      %cond3A_158 = arith.constant 0 : i32
      %cond3A_159 = arith.cmpi ne, %convert_element_type3A_157, %cond3A_158 : i32
      scf.if %cond3A_159 {
        %add3A_177 = arith.constant 1 : i32
        %add3A_178 = arith.addi %scan3A_46, %add3A_177 : i32
        %mul3A_179 = arith.constant 4 : i32
        %mul3A_180 = arith.muli %add3A_178, %mul3A_179 : i32
        %add3A_181 = arith.constant 2 : i32
        %add3A_182 = arith.addi %mul3A_180, %add3A_181 : i32
        %dma_start3A_183 = arith.constant 0 : i32
        %dma_start3A_184 = tpu.memref_slice %arg8[%add3A_182, %dma_start3A_183] : memref<80x128xi32, #tpu.memory_space<vmem>> -> memref<1x128xi32, #tpu.memory_space<vmem>>
        %dma_start3A_185 = tpu.memref_squeeze %dma_start3A_184 : memref<1x128xi32, #tpu.memory_space<vmem>> -> memref<128xi32, #tpu.memory_space<vmem>>
        %dma_start3A_186 = arith.constant 0 : i32
        %dma_start3A_187 = arith.constant 0 : i32
        %dma_start3A_188 = tpu.memref_slice %arg2[%dma_start3A_186, %dma_start3A_187] : memref<10112x32xf32, #tpu.memory_space<hbm>> -> memref<10112x32xf32, #tpu.memory_space<hbm>>
        tpu.enqueue_indirect_dma source(%dma_start3A_188 : memref<10112x32xf32, #tpu.memory_space<hbm>>) target(%arg12 : memref<128x32xf32, #tpu.memory_space<vmem>>) offsets(%dma_start3A_185 : memref<128xi32, #tpu.memory_space<vmem>>) semaphore(%arg17 : memref<!tpu.dma_semaphore, #tpu.memory_space<semaphore_mem>>)
      } else {
      }
      %mul3A_160 = arith.constant 4 : i32
      %mul3A_161 = arith.muli %scan3A_46, %mul3A_160 : i32
      %add3A_162 = arith.constant 3 : i32
      %add3A_163 = arith.addi %mul3A_161, %add3A_162 : i32
      %dma_wait3A_164 = arith.constant 0 : i32
      %dma_wait3A_165 = tpu.memref_slice %arg9[%add3A_163, %dma_wait3A_164] : memref<80x128xi32, #tpu.memory_space<vmem>> -> memref<1x128xi32, #tpu.memory_space<vmem>>
      %dma_wait3A_166 = tpu.memref_squeeze %dma_wait3A_165 : memref<1x128xi32, #tpu.memory_space<vmem>> -> memref<128xi32, #tpu.memory_space<vmem>>
      %dma_wait3A_167 = arith.constant 0 : i32
      %dma_wait3A_168 = arith.constant 0 : i32
      %dma_wait3A_169 = tpu.memref_slice %arg14[%dma_wait3A_167, %dma_wait3A_168] : memref<10112x32xf32, #tpu.memory_space<vmem_shared>> -> memref<10112x32xf32, #tpu.memory_space<vmem_shared>>
      tpu.wait_indirect_dma semaphore(%arg22 : memref<!tpu.dma_semaphore, #tpu.memory_space<semaphore_mem>>) src(%arg13 : memref<128x32xf32, #tpu.memory_space<vmem>>) dst(%dma_wait3A_169 : memref<10112x32xf32, #tpu.memory_space<vmem_shared>>)
      %add3A_170 = arith.constant 1 : i32
      %add3A_171 = arith.addi %scan3A_46, %add3A_170 : i32
      %lt3A_172 = arith.constant 20 : i32
      %lt3A_173 = arith.cmpi slt, %add3A_171, %lt3A_172 : i32
      %convert_element_type3A_174 = arith.extui %lt3A_173 : i1 to i32
      %cond3A_175 = arith.constant 0 : i32
      %cond3A_176 = arith.cmpi ne, %convert_element_type3A_174, %cond3A_175 : i32
      scf.if %cond3A_176 {
        %add3A_177 = arith.constant 1 : i32
        %add3A_178 = arith.addi %scan3A_46, %add3A_177 : i32
        %mul3A_179 = arith.constant 4 : i32
        %mul3A_180 = arith.muli %add3A_178, %mul3A_179 : i32
        %add3A_181 = arith.constant 3 : i32
        %add3A_182 = arith.addi %mul3A_180, %add3A_181 : i32
        %dma_start3A_183 = arith.constant 0 : i32
        %dma_start3A_184 = tpu.memref_slice %arg8[%add3A_182, %dma_start3A_183] : memref<80x128xi32, #tpu.memory_space<vmem>> -> memref<1x128xi32, #tpu.memory_space<vmem>>
        %dma_start3A_185 = tpu.memref_squeeze %dma_start3A_184 : memref<1x128xi32, #tpu.memory_space<vmem>> -> memref<128xi32, #tpu.memory_space<vmem>>
        %dma_start3A_186 = arith.constant 0 : i32
        %dma_start3A_187 = arith.constant 0 : i32
        %dma_start3A_188 = tpu.memref_slice %arg2[%dma_start3A_186, %dma_start3A_187] : memref<10112x32xf32, #tpu.memory_space<hbm>> -> memref<10112x32xf32, #tpu.memory_space<hbm>>
        tpu.enqueue_indirect_dma source(%dma_start3A_188 : memref<10112x32xf32, #tpu.memory_space<hbm>>) target(%arg13 : memref<128x32xf32, #tpu.memory_space<vmem>>) offsets(%dma_start3A_185 : memref<128xi32, #tpu.memory_space<vmem>>) semaphore(%arg18 : memref<!tpu.dma_semaphore, #tpu.memory_space<semaphore_mem>>)
      } else {
      }
    }
    %scan3A_37 = arith.constant 20 : i32
    %barrier3A_38 = arith.constant 0 : index
    tpu.barrier barrier_id(%barrier3A_38)
    %eq3A = arith.constant 0 : i32
    %eq3A_39 = arith.cmpi eq, %arg0, %eq3A : i32
    %convert_element_type3A = arith.extui %eq3A_39 : i1 to i32
    %cond3A = arith.constant 0 : i32
    %cond3A_40 = arith.cmpi ne, %convert_element_type3A, %cond3A : i32
    scf.if %cond3A_40 {
      "tpu.region"() ({
        %run_scoped3A = tpu.sem_alloc : memref<!tpu.dma_semaphore, #tpu.memory_space<semaphore_mem>>
        %dma_start3A_46 = arith.constant 0 : i32
        %dma_start3A_47 = tpu.memref_slice %arg6[%mul3A_0, %dma_start3A_46] : memref<10112x32xf32, #tpu.memory_space<hbm>> -> memref<632x32xf32, #tpu.memory_space<hbm>>
        %dma_start3A_48 = arith.constant 0 : i32
        %dma_start3A_49 = tpu.memref_slice %arg14[%mul3A_0, %dma_start3A_48] : memref<10112x32xf32, #tpu.memory_space<vmem_shared>> -> memref<632x32xf32, #tpu.memory_space<vmem_shared>>
        tpu.enqueue_dma source(%dma_start3A_49 : memref<632x32xf32, #tpu.memory_space<vmem_shared>>) target(%dma_start3A_47 : memref<632x32xf32, #tpu.memory_space<hbm>>) target_semaphore(%run_scoped3A : memref<!tpu.dma_semaphore, #tpu.memory_space<semaphore_mem>>)
        %dma_wait3A = arith.constant 0 : i32
        %dma_wait3A_50 = tpu.memref_slice %arg6[%mul3A_0, %dma_wait3A] : memref<10112x32xf32, #tpu.memory_space<hbm>> -> memref<632x32xf32, #tpu.memory_space<hbm>>
        %dma_wait3A_51 = arith.constant 0 : i32
        %dma_wait3A_52 = tpu.memref_slice %arg14[%mul3A_0, %dma_wait3A_51] : memref<10112x32xf32, #tpu.memory_space<vmem_shared>> -> memref<632x32xf32, #tpu.memory_space<vmem_shared>>
        tpu.wait_dma2 semaphore(%run_scoped3A : memref<!tpu.dma_semaphore, #tpu.memory_space<semaphore_mem>>) src(%dma_wait3A_52 : memref<632x32xf32, #tpu.memory_space<vmem_shared>>) dst(%dma_wait3A_50 : memref<632x32xf32, #tpu.memory_space<hbm>>)
        tpu.yield
      }) : () -> ()
    } else {
    }
    %eq3A_41 = arith.constant 1 : i32
    %eq3A_42 = arith.cmpi eq, %arg0, %eq3A_41 : i32
    %convert_element_type3A_43 = arith.extui %eq3A_42 : i1 to i32
    %cond3A_44 = arith.constant 0 : i32
    %cond3A_45 = arith.cmpi ne, %convert_element_type3A_43, %cond3A_44 : i32
    scf.if %cond3A_45 {
      "tpu.region"() ({
        %run_scoped3A = tpu.sem_alloc : memref<!tpu.dma_semaphore, #tpu.memory_space<semaphore_mem>>
        %dma_start3A_46 = arith.constant 0 : i32
        %dma_start3A_47 = tpu.memref_slice %arg7[%mul3A_0, %dma_start3A_46] : memref<10112x32xf32, #tpu.memory_space<hbm>> -> memref<632x32xf32, #tpu.memory_space<hbm>>
        %dma_start3A_48 = arith.constant 0 : i32
        %dma_start3A_49 = tpu.memref_slice %arg14[%mul3A_0, %dma_start3A_48] : memref<10112x32xf32, #tpu.memory_space<vmem_shared>> -> memref<632x32xf32, #tpu.memory_space<vmem_shared>>
        tpu.enqueue_dma source(%dma_start3A_49 : memref<632x32xf32, #tpu.memory_space<vmem_shared>>) target(%dma_start3A_47 : memref<632x32xf32, #tpu.memory_space<hbm>>) target_semaphore(%run_scoped3A : memref<!tpu.dma_semaphore, #tpu.memory_space<semaphore_mem>>)
        %dma_wait3A = arith.constant 0 : i32
        %dma_wait3A_50 = tpu.memref_slice %arg7[%mul3A_0, %dma_wait3A] : memref<10112x32xf32, #tpu.memory_space<hbm>> -> memref<632x32xf32, #tpu.memory_space<hbm>>
        %dma_wait3A_51 = arith.constant 0 : i32
        %dma_wait3A_52 = tpu.memref_slice %arg14[%mul3A_0, %dma_wait3A_51] : memref<10112x32xf32, #tpu.memory_space<vmem_shared>> -> memref<632x32xf32, #tpu.memory_space<vmem_shared>>
        tpu.wait_dma2 semaphore(%run_scoped3A : memref<!tpu.dma_semaphore, #tpu.memory_space<semaphore_mem>>) src(%dma_wait3A_52 : memref<632x32xf32, #tpu.memory_space<vmem_shared>>) dst(%dma_wait3A_50 : memref<632x32xf32, #tpu.memory_space<hbm>>)
        tpu.yield
      }) : () -> ()
    } else {
    }
    return
  }
}

#map = affine_map<(d0, d1) -> (0, 0)>
#map1 = affine_map<(d0, d1) -> (0, 0, 0)>
module attributes {stable_mosaic.version = 14 : i64} {
  func.func @conv_kernel(%arg0: i32, %arg1: i32, %arg2: memref<10112x32xf32, #tpu.memory_space<hbm>>, %arg3: memref<32x80x128xi32, #tpu.memory_space<hbm>>, %arg4: memref<32x80x128xi32, #tpu.memory_space<hbm>>, %arg5: memref<10112x32xf32, #tpu.memory_space<hbm>>, %arg6: memref<10112x32xf32, #tpu.memory_space<hbm>>, %arg7: memref<10112x32xf32, #tpu.memory_space<hbm>>, %arg8: memref<80x128xi32, #tpu.memory_space<vmem>>, %arg9: memref<80x128xi32, #tpu.memory_space<vmem>>, %arg10: memref<128x32xf32, #tpu.memory_space<vmem>>, %arg11: memref<128x32xf32, #tpu.memory_space<vmem>>, %arg12: memref<128x32xf32, #tpu.memory_space<vmem>>, %arg13: memref<128x32xf32, #tpu.memory_space<vmem>>, %arg14: memref<10112x32xf32, #tpu.memory_space<vmem_shared>>, %arg15: memref<!tpu.dma_semaphore, #tpu.memory_space<semaphore_mem>>, %arg16: memref<!tpu.dma_semaphore, #tpu.memory_space<semaphore_mem>>, %arg17: memref<!tpu.dma_semaphore, #tpu.memory_space<semaphore_mem>>, %arg18: memref<!tpu.dma_semaphore, #tpu.memory_space<semaphore_mem>>, %arg19: memref<!tpu.dma_semaphore, #tpu.memory_space<semaphore_mem>>, %arg20: memref<!tpu.dma_semaphore, #tpu.memory_space<semaphore_mem>>, %arg21: memref<!tpu.dma_semaphore, #tpu.memory_space<semaphore_mem>>, %arg22: memref<!tpu.dma_semaphore, #tpu.memory_space<semaphore_mem>>) attributes {dimension_semantics = [#tpu.dimension_semantics<core_parallel>, #tpu.dimension_semantics<subcore_parallel>], iteration_bounds = array<i64: 2, 16>, scalar_prefetch = 0 : i64, scratch_operands = 15 : i64, tpu.core_type = #tpu.core_type<sc_vector_subcore>, window_params = [{transform_indices = #map}, {transform_indices = #map1}, {transform_indices = #map1}, {transform_indices = #map}, {transform_indices = #map}, {transform_indices = #map}]} {
    %mul3A = arith.constant 632 : i32
    %mul3A_0 = arith.muli %arg1, %mul3A : i32
    "tpu.region"() ({
      %run_scoped3A = tpu.sem_alloc : memref<!tpu.dma_semaphore, #tpu.memory_space<semaphore_mem>>
      %dma_start3A_46 = arith.constant 0 : i32
      %dma_start3A_47 = tpu.memref_slice %arg14[%mul3A_0, %dma_start3A_46] : memref<10112x32xf32, #tpu.memory_space<vmem_shared>> -> memref<632x32xf32, #tpu.memory_space<vmem_shared>>
      %dma_start3A_48 = arith.constant 0 : i32
      %dma_start3A_49 = tpu.memref_slice %arg5[%mul3A_0, %dma_start3A_48] : memref<10112x32xf32, #tpu.memory_space<hbm>> -> memref<632x32xf32, #tpu.memory_space<hbm>>
      tpu.enqueue_dma source(%dma_start3A_49 : memref<632x32xf32, #tpu.memory_space<hbm>>) target(%dma_start3A_47 : memref<632x32xf32, #tpu.memory_space<vmem_shared>>) target_semaphore(%run_scoped3A : memref<!tpu.dma_semaphore, #tpu.memory_space<semaphore_mem>>)
      %dma_wait3A = arith.constant 0 : i32
      %dma_wait3A_50 = tpu.memref_slice %arg14[%mul3A_0, %dma_wait3A] : memref<10112x32xf32, #tpu.memory_space<vmem_shared>> -> memref<632x32xf32, #tpu.memory_space<vmem_shared>>
      %dma_wait3A_51 = arith.constant 0 : i32
      %dma_wait3A_52 = tpu.memref_slice %arg5[%mul3A_0, %dma_wait3A_51] : memref<10112x32xf32, #tpu.memory_space<hbm>> -> memref<632x32xf32, #tpu.memory_space<hbm>>
      tpu.wait_dma2 semaphore(%run_scoped3A : memref<!tpu.dma_semaphore, #tpu.memory_space<semaphore_mem>>) src(%dma_wait3A_52 : memref<632x32xf32, #tpu.memory_space<hbm>>) dst(%dma_wait3A_50 : memref<632x32xf32, #tpu.memory_space<vmem_shared>>)
      tpu.yield
    }) : () -> ()
    %mul3A_1 = arith.constant 16 : i32
    %mul3A_2 = arith.muli %arg0, %mul3A_1 : i32
    %add3A = arith.addi %mul3A_2, %arg1 : i32
    "tpu.region"() ({
      %run_scoped3A = tpu.sem_alloc : memref<!tpu.dma_semaphore, #tpu.memory_space<semaphore_mem>>
      %dma_start3A_46 = arith.constant 0 : i32
      %dma_start3A_47 = arith.constant 0 : i32
      %dma_start3A_48 = tpu.memref_slice %arg3[%add3A, %dma_start3A_46, %dma_start3A_47] : memref<32x80x128xi32, #tpu.memory_space<hbm>> -> memref<1x80x128xi32, #tpu.memory_space<hbm>>
      %dma_start3A_49 = tpu.memref_squeeze %dma_start3A_48 : memref<1x80x128xi32, #tpu.memory_space<hbm>> -> memref<80x128xi32, #tpu.memory_space<hbm>>
      %dma_start3A_50 = arith.constant 0 : i32
      %dma_start3A_51 = arith.constant 0 : i32
      %dma_start3A_52 = tpu.memref_slice %arg3[%add3A, %dma_start3A_50, %dma_start3A_51] : memref<32x80x128xi32, #tpu.memory_space<hbm>> -> memref<1x80x128xi32, #tpu.memory_space<hbm>>
      %dma_start3A_53 = tpu.memref_squeeze %dma_start3A_52 : memref<1x80x128xi32, #tpu.memory_space<hbm>> -> memref<80x128xi32, #tpu.memory_space<hbm>>
      tpu.enqueue_dma source(%dma_start3A_53 : memref<80x128xi32, #tpu.memory_space<hbm>>) target(%arg8 : memref<80x128xi32, #tpu.memory_space<vmem>>) target_semaphore(%run_scoped3A : memref<!tpu.dma_semaphore, #tpu.memory_space<semaphore_mem>>)
      %dma_wait3A = arith.constant 0 : i32
      %dma_wait3A_54 = arith.constant 0 : i32
      %dma_wait3A_55 = tpu.memref_slice %arg3[%add3A, %dma_wait3A, %dma_wait3A_54] : memref<32x80x128xi32, #tpu.memory_space<hbm>> -> memref<1x80x128xi32, #tpu.memory_space<hbm>>
      %dma_wait3A_56 = tpu.memref_squeeze %dma_wait3A_55 : memref<1x80x128xi32, #tpu.memory_space<hbm>> -> memref<80x128xi32, #tpu.memory_space<hbm>>
      %dma_wait3A_57 = arith.constant 0 : i32
      %dma_wait3A_58 = arith.constant 0 : i32
      %dma_wait3A_59 = tpu.memref_slice %arg3[%add3A, %dma_wait3A_57, %dma_wait3A_58] : memref<32x80x128xi32, #tpu.memory_space<hbm>> -> memref<1x80x128xi32, #tpu.memory_space<hbm>>
      %dma_wait3A_60 = tpu.memref_squeeze %dma_wait3A_59 : memref<1x80x128xi32, #tpu.memory_space<hbm>> -> memref<80x128xi32, #tpu.memory_space<hbm>>
      tpu.wait_dma2 semaphore(%run_scoped3A : memref<!tpu.dma_semaphore, #tpu.memory_space<semaphore_mem>>) src(%dma_wait3A_60 : memref<80x128xi32, #tpu.memory_space<hbm>>) dst(%arg8 : memref<80x128xi32, #tpu.memory_space<vmem>>)
      tpu.yield
    }) : () -> ()
    %mul3A_3 = arith.constant 16 : i32
    %mul3A_4 = arith.muli %arg0, %mul3A_3 : i32
    %add3A_5 = arith.addi %mul3A_4, %arg1 : i32
    "tpu.region"() ({
      %run_scoped3A = tpu.sem_alloc : memref<!tpu.dma_semaphore, #tpu.memory_space<semaphore_mem>>
      %dma_start3A_46 = arith.constant 0 : i32
      %dma_start3A_47 = arith.constant 0 : i32
      %dma_start3A_48 = tpu.memref_slice %arg4[%add3A_5, %dma_start3A_46, %dma_start3A_47] : memref<32x80x128xi32, #tpu.memory_space<hbm>> -> memref<1x80x128xi32, #tpu.memory_space<hbm>>
      %dma_start3A_49 = tpu.memref_squeeze %dma_start3A_48 : memref<1x80x128xi32, #tpu.memory_space<hbm>> -> memref<80x128xi32, #tpu.memory_space<hbm>>
      %dma_start3A_50 = arith.constant 0 : i32
      %dma_start3A_51 = arith.constant 0 : i32
      %dma_start3A_52 = tpu.memref_slice %arg4[%add3A_5, %dma_start3A_50, %dma_start3A_51] : memref<32x80x128xi32, #tpu.memory_space<hbm>> -> memref<1x80x128xi32, #tpu.memory_space<hbm>>
      %dma_start3A_53 = tpu.memref_squeeze %dma_start3A_52 : memref<1x80x128xi32, #tpu.memory_space<hbm>> -> memref<80x128xi32, #tpu.memory_space<hbm>>
      tpu.enqueue_dma source(%dma_start3A_53 : memref<80x128xi32, #tpu.memory_space<hbm>>) target(%arg9 : memref<80x128xi32, #tpu.memory_space<vmem>>) target_semaphore(%run_scoped3A : memref<!tpu.dma_semaphore, #tpu.memory_space<semaphore_mem>>)
      %dma_wait3A = arith.constant 0 : i32
      %dma_wait3A_54 = arith.constant 0 : i32
      %dma_wait3A_55 = tpu.memref_slice %arg4[%add3A_5, %dma_wait3A, %dma_wait3A_54] : memref<32x80x128xi32, #tpu.memory_space<hbm>> -> memref<1x80x128xi32, #tpu.memory_space<hbm>>
      %dma_wait3A_56 = tpu.memref_squeeze %dma_wait3A_55 : memref<1x80x128xi32, #tpu.memory_space<hbm>> -> memref<80x128xi32, #tpu.memory_space<hbm>>
      %dma_wait3A_57 = arith.constant 0 : i32
      %dma_wait3A_58 = arith.constant 0 : i32
      %dma_wait3A_59 = tpu.memref_slice %arg4[%add3A_5, %dma_wait3A_57, %dma_wait3A_58] : memref<32x80x128xi32, #tpu.memory_space<hbm>> -> memref<1x80x128xi32, #tpu.memory_space<hbm>>
      %dma_wait3A_60 = tpu.memref_squeeze %dma_wait3A_59 : memref<1x80x128xi32, #tpu.memory_space<hbm>> -> memref<80x128xi32, #tpu.memory_space<hbm>>
      tpu.wait_dma2 semaphore(%run_scoped3A : memref<!tpu.dma_semaphore, #tpu.memory_space<semaphore_mem>>) src(%dma_wait3A_60 : memref<80x128xi32, #tpu.memory_space<hbm>>) dst(%arg9 : memref<80x128xi32, #tpu.memory_space<vmem>>)
      tpu.yield
    }) : () -> ()
    %barrier3A = arith.constant 0 : index
    tpu.barrier barrier_id(%barrier3A)
    %dma_start3A = arith.constant 0 : i32
    %dma_start3A_6 = arith.constant 0 : i32
    %dma_start3A_7 = tpu.memref_slice %arg8[%dma_start3A, %dma_start3A_6] : memref<80x128xi32, #tpu.memory_space<vmem>> -> memref<1x128xi32, #tpu.memory_space<vmem>>
    %dma_start3A_8 = tpu.memref_squeeze %dma_start3A_7 : memref<1x128xi32, #tpu.memory_space<vmem>> -> memref<128xi32, #tpu.memory_space<vmem>>
    %dma_start3A_9 = arith.constant 0 : i32
    %dma_start3A_10 = arith.constant 0 : i32
    %dma_start3A_11 = tpu.memref_slice %arg2[%dma_start3A_9, %dma_start3A_10] : memref<10112x32xf32, #tpu.memory_space<hbm>> -> memref<10112x32xf32, #tpu.memory_space<hbm>>
    tpu.enqueue_indirect_dma source(%dma_start3A_11 : memref<10112x32xf32, #tpu.memory_space<hbm>>) target(%arg10 : memref<128x32xf32, #tpu.memory_space<vmem>>) offsets(%dma_start3A_8 : memref<128xi32, #tpu.memory_space<vmem>>) semaphore(%arg15 : memref<!tpu.dma_semaphore, #tpu.memory_space<semaphore_mem>>)
    %dma_start3A_12 = arith.constant 1 : i32
    %dma_start3A_13 = arith.constant 0 : i32
    %dma_start3A_14 = tpu.memref_slice %arg8[%dma_start3A_12, %dma_start3A_13] : memref<80x128xi32, #tpu.memory_space<vmem>> -> memref<1x128xi32, #tpu.memory_space<vmem>>
    %dma_start3A_15 = tpu.memref_squeeze %dma_start3A_14 : memref<1x128xi32, #tpu.memory_space<vmem>> -> memref<128xi32, #tpu.memory_space<vmem>>
    %dma_start3A_16 = arith.constant 0 : i32
    %dma_start3A_17 = arith.constant 0 : i32
    %dma_start3A_18 = tpu.memref_slice %arg2[%dma_start3A_16, %dma_start3A_17] : memref<10112x32xf32, #tpu.memory_space<hbm>> -> memref<10112x32xf32, #tpu.memory_space<hbm>>
    tpu.enqueue_indirect_dma source(%dma_start3A_18 : memref<10112x32xf32, #tpu.memory_space<hbm>>) target(%arg11 : memref<128x32xf32, #tpu.memory_space<vmem>>) offsets(%dma_start3A_15 : memref<128xi32, #tpu.memory_space<vmem>>) semaphore(%arg16 : memref<!tpu.dma_semaphore, #tpu.memory_space<semaphore_mem>>)
    %dma_start3A_19 = arith.constant 2 : i32
    %dma_start3A_20 = arith.constant 0 : i32
    %dma_start3A_21 = tpu.memref_slice %arg8[%dma_start3A_19, %dma_start3A_20] : memref<80x128xi32, #tpu.memory_space<vmem>> -> memref<1x128xi32, #tpu.memory_space<vmem>>
    %dma_start3A_22 = tpu.memref_squeeze %dma_start3A_21 : memref<1x128xi32, #tpu.memory_space<vmem>> -> memref<128xi32, #tpu.memory_space<vmem>>
    %dma_start3A_23 = arith.constant 0 : i32
    %dma_start3A_24 = arith.constant 0 : i32
    %dma_start3A_25 = tpu.memref_slice %arg2[%dma_start3A_23, %dma_start3A_24] : memref<10112x32xf32, #tpu.memory_space<hbm>> -> memref<10112x32xf32, #tpu.memory_space<hbm>>
    tpu.enqueue_indirect_dma source(%dma_start3A_25 : memref<10112x32xf32, #tpu.memory_space<hbm>>) target(%arg12 : memref<128x32xf32, #tpu.memory_space<vmem>>) offsets(%dma_start3A_22 : memref<128xi32, #tpu.memory_space<vmem>>) semaphore(%arg17 : memref<!tpu.dma_semaphore, #tpu.memory_space<semaphore_mem>>)
    %dma_start3A_26 = arith.constant 3 : i32
    %dma_start3A_27 = arith.constant 0 : i32
    %dma_start3A_28 = tpu.memref_slice %arg8[%dma_start3A_26, %dma_start3A_27] : memref<80x128xi32, #tpu.memory_space<vmem>> -> memref<1x128xi32, #tpu.memory_space<vmem>>
    %dma_start3A_29 = tpu.memref_squeeze %dma_start3A_28 : memref<1x128xi32, #tpu.memory_space<vmem>> -> memref<128xi32, #tpu.memory_space<vmem>>
    %dma_start3A_30 = arith.constant 0 : i32
    %dma_start3A_31 = arith.constant 0 : i32
    %dma_start3A_32 = tpu.memref_slice %arg2[%dma_start3A_30, %dma_start3A_31] : memref<10112x32xf32, #tpu.memory_space<hbm>> -> memref<10112x32xf32, #tpu.memory_space<hbm>>
    tpu.enqueue_indirect_dma source(%dma_start3A_32 : memref<10112x32xf32, #tpu.memory_space<hbm>>) target(%arg13 : memref<128x32xf32, #tpu.memory_space<vmem>>) offsets(%dma_start3A_29 : memref<128xi32, #tpu.memory_space<vmem>>) semaphore(%arg18 : memref<!tpu.dma_semaphore, #tpu.memory_space<semaphore_mem>>)
    %scan3A = arith.constant 0 : i32
    %scan3A_33 = arith.constant 0 : i32
    %scan3A_34 = arith.constant 20 : i32
    %scan3A_35 = arith.addi %scan3A_33, %scan3A_34 : i32
    %scan3A_36 = arith.constant 1 : i32
    scf.for %scan3A_46 = %scan3A_33 to %scan3A_35 step %scan3A_36  : i32 {
      %mul3A_47 = arith.constant 4 : i32
      %mul3A_48 = arith.muli %scan3A_46, %mul3A_47 : i32
      %add3A_49 = arith.constant 0 : i32
      %add3A_50 = arith.addi %mul3A_48, %add3A_49 : i32
      %dma_wait3A = arith.constant 0 : i32
      %dma_wait3A_51 = tpu.memref_slice %arg8[%add3A_50, %dma_wait3A] : memref<80x128xi32, #tpu.memory_space<vmem>> -> memref<1x128xi32, #tpu.memory_space<vmem>>
      %dma_wait3A_52 = tpu.memref_squeeze %dma_wait3A_51 : memref<1x128xi32, #tpu.memory_space<vmem>> -> memref<128xi32, #tpu.memory_space<vmem>>
      %dma_wait3A_53 = arith.constant 0 : i32
      %dma_wait3A_54 = arith.constant 0 : i32
      %dma_wait3A_55 = tpu.memref_slice %arg2[%dma_wait3A_53, %dma_wait3A_54] : memref<10112x32xf32, #tpu.memory_space<hbm>> -> memref<10112x32xf32, #tpu.memory_space<hbm>>
      tpu.wait_indirect_dma semaphore(%arg15 : memref<!tpu.dma_semaphore, #tpu.memory_space<semaphore_mem>>) src(%dma_wait3A_55 : memref<10112x32xf32, #tpu.memory_space<hbm>>) dst(%arg10 : memref<128x32xf32, #tpu.memory_space<vmem>>)
      %dma_start3A_56 = arith.constant 0 : i32
      %dma_start3A_57 = tpu.memref_slice %arg9[%add3A_50, %dma_start3A_56] : memref<80x128xi32, #tpu.memory_space<vmem>> -> memref<1x128xi32, #tpu.memory_space<vmem>>
      %dma_start3A_58 = tpu.memref_squeeze %dma_start3A_57 : memref<1x128xi32, #tpu.memory_space<vmem>> -> memref<128xi32, #tpu.memory_space<vmem>>
      %dma_start3A_59 = arith.constant 0 : i32
      %dma_start3A_60 = arith.constant 0 : i32
      %dma_start3A_61 = tpu.memref_slice %arg14[%dma_start3A_59, %dma_start3A_60] : memref<10112x32xf32, #tpu.memory_space<vmem_shared>> -> memref<10112x32xf32, #tpu.memory_space<vmem_shared>>
      tpu.enqueue_indirect_dma source(%arg10 : memref<128x32xf32, #tpu.memory_space<vmem>>) target(%dma_start3A_61 : memref<10112x32xf32, #tpu.memory_space<vmem_shared>>) offsets(%dma_start3A_58 : memref<128xi32, #tpu.memory_space<vmem>>) semaphore(%arg19 : memref<!tpu.dma_semaphore, #tpu.memory_space<semaphore_mem>>) {add = true}
      %mul3A_62 = arith.constant 4 : i32
      %mul3A_63 = arith.muli %scan3A_46, %mul3A_62 : i32
      %add3A_64 = arith.constant 1 : i32
      %add3A_65 = arith.addi %mul3A_63, %add3A_64 : i32
      %dma_wait3A_66 = arith.constant 0 : i32
      %dma_wait3A_67 = tpu.memref_slice %arg8[%add3A_65, %dma_wait3A_66] : memref<80x128xi32, #tpu.memory_space<vmem>> -> memref<1x128xi32, #tpu.memory_space<vmem>>
      %dma_wait3A_68 = tpu.memref_squeeze %dma_wait3A_67 : memref<1x128xi32, #tpu.memory_space<vmem>> -> memref<128xi32, #tpu.memory_space<vmem>>
      %dma_wait3A_69 = arith.constant 0 : i32
      %dma_wait3A_70 = arith.constant 0 : i32
      %dma_wait3A_71 = tpu.memref_slice %arg2[%dma_wait3A_69, %dma_wait3A_70] : memref<10112x32xf32, #tpu.memory_space<hbm>> -> memref<10112x32xf32, #tpu.memory_space<hbm>>
      tpu.wait_indirect_dma semaphore(%arg16 : memref<!tpu.dma_semaphore, #tpu.memory_space<semaphore_mem>>) src(%dma_wait3A_71 : memref<10112x32xf32, #tpu.memory_space<hbm>>) dst(%arg11 : memref<128x32xf32, #tpu.memory_space<vmem>>)
      %dma_start3A_72 = arith.constant 0 : i32
      %dma_start3A_73 = tpu.memref_slice %arg9[%add3A_65, %dma_start3A_72] : memref<80x128xi32, #tpu.memory_space<vmem>> -> memref<1x128xi32, #tpu.memory_space<vmem>>
      %dma_start3A_74 = tpu.memref_squeeze %dma_start3A_73 : memref<1x128xi32, #tpu.memory_space<vmem>> -> memref<128xi32, #tpu.memory_space<vmem>>
      %dma_start3A_75 = arith.constant 0 : i32
      %dma_start3A_76 = arith.constant 0 : i32
      %dma_start3A_77 = tpu.memref_slice %arg14[%dma_start3A_75, %dma_start3A_76] : memref<10112x32xf32, #tpu.memory_space<vmem_shared>> -> memref<10112x32xf32, #tpu.memory_space<vmem_shared>>
      tpu.enqueue_indirect_dma source(%arg11 : memref<128x32xf32, #tpu.memory_space<vmem>>) target(%dma_start3A_77 : memref<10112x32xf32, #tpu.memory_space<vmem_shared>>) offsets(%dma_start3A_74 : memref<128xi32, #tpu.memory_space<vmem>>) semaphore(%arg20 : memref<!tpu.dma_semaphore, #tpu.memory_space<semaphore_mem>>) {add = true}
      %mul3A_78 = arith.constant 4 : i32
      %mul3A_79 = arith.muli %scan3A_46, %mul3A_78 : i32
      %add3A_80 = arith.constant 2 : i32
      %add3A_81 = arith.addi %mul3A_79, %add3A_80 : i32
      %dma_wait3A_82 = arith.constant 0 : i32
      %dma_wait3A_83 = tpu.memref_slice %arg8[%add3A_81, %dma_wait3A_82] : memref<80x128xi32, #tpu.memory_space<vmem>> -> memref<1x128xi32, #tpu.memory_space<vmem>>
      %dma_wait3A_84 = tpu.memref_squeeze %dma_wait3A_83 : memref<1x128xi32, #tpu.memory_space<vmem>> -> memref<128xi32, #tpu.memory_space<vmem>>
      %dma_wait3A_85 = arith.constant 0 : i32
      %dma_wait3A_86 = arith.constant 0 : i32
      %dma_wait3A_87 = tpu.memref_slice %arg2[%dma_wait3A_85, %dma_wait3A_86] : memref<10112x32xf32, #tpu.memory_space<hbm>> -> memref<10112x32xf32, #tpu.memory_space<hbm>>
      tpu.wait_indirect_dma semaphore(%arg17 : memref<!tpu.dma_semaphore, #tpu.memory_space<semaphore_mem>>) src(%dma_wait3A_87 : memref<10112x32xf32, #tpu.memory_space<hbm>>) dst(%arg12 : memref<128x32xf32, #tpu.memory_space<vmem>>)
      %dma_start3A_88 = arith.constant 0 : i32
      %dma_start3A_89 = tpu.memref_slice %arg9[%add3A_81, %dma_start3A_88] : memref<80x128xi32, #tpu.memory_space<vmem>> -> memref<1x128xi32, #tpu.memory_space<vmem>>
      %dma_start3A_90 = tpu.memref_squeeze %dma_start3A_89 : memref<1x128xi32, #tpu.memory_space<vmem>> -> memref<128xi32, #tpu.memory_space<vmem>>
      %dma_start3A_91 = arith.constant 0 : i32
      %dma_start3A_92 = arith.constant 0 : i32
      %dma_start3A_93 = tpu.memref_slice %arg14[%dma_start3A_91, %dma_start3A_92] : memref<10112x32xf32, #tpu.memory_space<vmem_shared>> -> memref<10112x32xf32, #tpu.memory_space<vmem_shared>>
      tpu.enqueue_indirect_dma source(%arg12 : memref<128x32xf32, #tpu.memory_space<vmem>>) target(%dma_start3A_93 : memref<10112x32xf32, #tpu.memory_space<vmem_shared>>) offsets(%dma_start3A_90 : memref<128xi32, #tpu.memory_space<vmem>>) semaphore(%arg21 : memref<!tpu.dma_semaphore, #tpu.memory_space<semaphore_mem>>) {add = true}
      %mul3A_94 = arith.constant 4 : i32
      %mul3A_95 = arith.muli %scan3A_46, %mul3A_94 : i32
      %add3A_96 = arith.constant 3 : i32
      %add3A_97 = arith.addi %mul3A_95, %add3A_96 : i32
      %dma_wait3A_98 = arith.constant 0 : i32
      %dma_wait3A_99 = tpu.memref_slice %arg8[%add3A_97, %dma_wait3A_98] : memref<80x128xi32, #tpu.memory_space<vmem>> -> memref<1x128xi32, #tpu.memory_space<vmem>>
      %dma_wait3A_100 = tpu.memref_squeeze %dma_wait3A_99 : memref<1x128xi32, #tpu.memory_space<vmem>> -> memref<128xi32, #tpu.memory_space<vmem>>
      %dma_wait3A_101 = arith.constant 0 : i32
      %dma_wait3A_102 = arith.constant 0 : i32
      %dma_wait3A_103 = tpu.memref_slice %arg2[%dma_wait3A_101, %dma_wait3A_102] : memref<10112x32xf32, #tpu.memory_space<hbm>> -> memref<10112x32xf32, #tpu.memory_space<hbm>>
      tpu.wait_indirect_dma semaphore(%arg18 : memref<!tpu.dma_semaphore, #tpu.memory_space<semaphore_mem>>) src(%dma_wait3A_103 : memref<10112x32xf32, #tpu.memory_space<hbm>>) dst(%arg13 : memref<128x32xf32, #tpu.memory_space<vmem>>)
      %dma_start3A_104 = arith.constant 0 : i32
      %dma_start3A_105 = tpu.memref_slice %arg9[%add3A_97, %dma_start3A_104] : memref<80x128xi32, #tpu.memory_space<vmem>> -> memref<1x128xi32, #tpu.memory_space<vmem>>
      %dma_start3A_106 = tpu.memref_squeeze %dma_start3A_105 : memref<1x128xi32, #tpu.memory_space<vmem>> -> memref<128xi32, #tpu.memory_space<vmem>>
      %dma_start3A_107 = arith.constant 0 : i32
      %dma_start3A_108 = arith.constant 0 : i32
      %dma_start3A_109 = tpu.memref_slice %arg14[%dma_start3A_107, %dma_start3A_108] : memref<10112x32xf32, #tpu.memory_space<vmem_shared>> -> memref<10112x32xf32, #tpu.memory_space<vmem_shared>>
      tpu.enqueue_indirect_dma source(%arg13 : memref<128x32xf32, #tpu.memory_space<vmem>>) target(%dma_start3A_109 : memref<10112x32xf32, #tpu.memory_space<vmem_shared>>) offsets(%dma_start3A_106 : memref<128xi32, #tpu.memory_space<vmem>>) semaphore(%arg22 : memref<!tpu.dma_semaphore, #tpu.memory_space<semaphore_mem>>) {add = true}
      %mul3A_110 = arith.constant 4 : i32
      %mul3A_111 = arith.muli %scan3A_46, %mul3A_110 : i32
      %add3A_112 = arith.constant 0 : i32
      %add3A_113 = arith.addi %mul3A_111, %add3A_112 : i32
      %dma_wait3A_114 = arith.constant 0 : i32
      %dma_wait3A_115 = tpu.memref_slice %arg9[%add3A_113, %dma_wait3A_114] : memref<80x128xi32, #tpu.memory_space<vmem>> -> memref<1x128xi32, #tpu.memory_space<vmem>>
      %dma_wait3A_116 = tpu.memref_squeeze %dma_wait3A_115 : memref<1x128xi32, #tpu.memory_space<vmem>> -> memref<128xi32, #tpu.memory_space<vmem>>
      %dma_wait3A_117 = arith.constant 0 : i32
      %dma_wait3A_118 = arith.constant 0 : i32
      %dma_wait3A_119 = tpu.memref_slice %arg14[%dma_wait3A_117, %dma_wait3A_118] : memref<10112x32xf32, #tpu.memory_space<vmem_shared>> -> memref<10112x32xf32, #tpu.memory_space<vmem_shared>>
      tpu.wait_indirect_dma semaphore(%arg19 : memref<!tpu.dma_semaphore, #tpu.memory_space<semaphore_mem>>) src(%arg10 : memref<128x32xf32, #tpu.memory_space<vmem>>) dst(%dma_wait3A_119 : memref<10112x32xf32, #tpu.memory_space<vmem_shared>>)
      %add3A_120 = arith.constant 1 : i32
      %add3A_121 = arith.addi %scan3A_46, %add3A_120 : i32
      %lt3A = arith.constant 20 : i32
      %lt3A_122 = arith.cmpi slt, %add3A_121, %lt3A : i32
      %convert_element_type3A_123 = arith.extui %lt3A_122 : i1 to i32
      %cond3A_124 = arith.constant 0 : i32
      %cond3A_125 = arith.cmpi ne, %convert_element_type3A_123, %cond3A_124 : i32
      scf.if %cond3A_125 {
        %add3A_177 = arith.constant 1 : i32
        %add3A_178 = arith.addi %scan3A_46, %add3A_177 : i32
        %mul3A_179 = arith.constant 4 : i32
        %mul3A_180 = arith.muli %add3A_178, %mul3A_179 : i32
        %add3A_181 = arith.constant 0 : i32
        %add3A_182 = arith.addi %mul3A_180, %add3A_181 : i32
        %dma_start3A_183 = arith.constant 0 : i32
        %dma_start3A_184 = tpu.memref_slice %arg8[%add3A_182, %dma_start3A_183] : memref<80x128xi32, #tpu.memory_space<vmem>> -> memref<1x128xi32, #tpu.memory_space<vmem>>
        %dma_start3A_185 = tpu.memref_squeeze %dma_start3A_184 : memref<1x128xi32, #tpu.memory_space<vmem>> -> memref<128xi32, #tpu.memory_space<vmem>>
        %dma_start3A_186 = arith.constant 0 : i32
        %dma_start3A_187 = arith.constant 0 : i32
        %dma_start3A_188 = tpu.memref_slice %arg2[%dma_start3A_186, %dma_start3A_187] : memref<10112x32xf32, #tpu.memory_space<hbm>> -> memref<10112x32xf32, #tpu.memory_space<hbm>>
        tpu.enqueue_indirect_dma source(%dma_start3A_188 : memref<10112x32xf32, #tpu.memory_space<hbm>>) target(%arg10 : memref<128x32xf32, #tpu.memory_space<vmem>>) offsets(%dma_start3A_185 : memref<128xi32, #tpu.memory_space<vmem>>) semaphore(%arg15 : memref<!tpu.dma_semaphore, #tpu.memory_space<semaphore_mem>>)
      } else {
      }
      %mul3A_126 = arith.constant 4 : i32
      %mul3A_127 = arith.muli %scan3A_46, %mul3A_126 : i32
      %add3A_128 = arith.constant 1 : i32
      %add3A_129 = arith.addi %mul3A_127, %add3A_128 : i32
      %dma_wait3A_130 = arith.constant 0 : i32
      %dma_wait3A_131 = tpu.memref_slice %arg9[%add3A_129, %dma_wait3A_130] : memref<80x128xi32, #tpu.memory_space<vmem>> -> memref<1x128xi32, #tpu.memory_space<vmem>>
      %dma_wait3A_132 = tpu.memref_squeeze %dma_wait3A_131 : memref<1x128xi32, #tpu.memory_space<vmem>> -> memref<128xi32, #tpu.memory_space<vmem>>
      %dma_wait3A_133 = arith.constant 0 : i32
      %dma_wait3A_134 = arith.constant 0 : i32
      %dma_wait3A_135 = tpu.memref_slice %arg14[%dma_wait3A_133, %dma_wait3A_134] : memref<10112x32xf32, #tpu.memory_space<vmem_shared>> -> memref<10112x32xf32, #tpu.memory_space<vmem_shared>>
      tpu.wait_indirect_dma semaphore(%arg20 : memref<!tpu.dma_semaphore, #tpu.memory_space<semaphore_mem>>) src(%arg11 : memref<128x32xf32, #tpu.memory_space<vmem>>) dst(%dma_wait3A_135 : memref<10112x32xf32, #tpu.memory_space<vmem_shared>>)
      %add3A_136 = arith.constant 1 : i32
      %add3A_137 = arith.addi %scan3A_46, %add3A_136 : i32
      %lt3A_138 = arith.constant 20 : i32
      %lt3A_139 = arith.cmpi slt, %add3A_137, %lt3A_138 : i32
      %convert_element_type3A_140 = arith.extui %lt3A_139 : i1 to i32
      %cond3A_141 = arith.constant 0 : i32
      %cond3A_142 = arith.cmpi ne, %convert_element_type3A_140, %cond3A_141 : i32
      scf.if %cond3A_142 {
        %add3A_177 = arith.constant 1 : i32
        %add3A_178 = arith.addi %scan3A_46, %add3A_177 : i32
        %mul3A_179 = arith.constant 4 : i32
        %mul3A_180 = arith.muli %add3A_178, %mul3A_179 : i32
        %add3A_181 = arith.constant 1 : i32
        %add3A_182 = arith.addi %mul3A_180, %add3A_181 : i32
        %dma_start3A_183 = arith.constant 0 : i32
        %dma_start3A_184 = tpu.memref_slice %arg8[%add3A_182, %dma_start3A_183] : memref<80x128xi32, #tpu.memory_space<vmem>> -> memref<1x128xi32, #tpu.memory_space<vmem>>
        %dma_start3A_185 = tpu.memref_squeeze %dma_start3A_184 : memref<1x128xi32, #tpu.memory_space<vmem>> -> memref<128xi32, #tpu.memory_space<vmem>>
        %dma_start3A_186 = arith.constant 0 : i32
        %dma_start3A_187 = arith.constant 0 : i32
        %dma_start3A_188 = tpu.memref_slice %arg2[%dma_start3A_186, %dma_start3A_187] : memref<10112x32xf32, #tpu.memory_space<hbm>> -> memref<10112x32xf32, #tpu.memory_space<hbm>>
        tpu.enqueue_indirect_dma source(%dma_start3A_188 : memref<10112x32xf32, #tpu.memory_space<hbm>>) target(%arg11 : memref<128x32xf32, #tpu.memory_space<vmem>>) offsets(%dma_start3A_185 : memref<128xi32, #tpu.memory_space<vmem>>) semaphore(%arg16 : memref<!tpu.dma_semaphore, #tpu.memory_space<semaphore_mem>>)
      } else {
      }
      %mul3A_143 = arith.constant 4 : i32
      %mul3A_144 = arith.muli %scan3A_46, %mul3A_143 : i32
      %add3A_145 = arith.constant 2 : i32
      %add3A_146 = arith.addi %mul3A_144, %add3A_145 : i32
      %dma_wait3A_147 = arith.constant 0 : i32
      %dma_wait3A_148 = tpu.memref_slice %arg9[%add3A_146, %dma_wait3A_147] : memref<80x128xi32, #tpu.memory_space<vmem>> -> memref<1x128xi32, #tpu.memory_space<vmem>>
      %dma_wait3A_149 = tpu.memref_squeeze %dma_wait3A_148 : memref<1x128xi32, #tpu.memory_space<vmem>> -> memref<128xi32, #tpu.memory_space<vmem>>
      %dma_wait3A_150 = arith.constant 0 : i32
      %dma_wait3A_151 = arith.constant 0 : i32
      %dma_wait3A_152 = tpu.memref_slice %arg14[%dma_wait3A_150, %dma_wait3A_151] : memref<10112x32xf32, #tpu.memory_space<vmem_shared>> -> memref<10112x32xf32, #tpu.memory_space<vmem_shared>>
      tpu.wait_indirect_dma semaphore(%arg21 : memref<!tpu.dma_semaphore, #tpu.memory_space<semaphore_mem>>) src(%arg12 : memref<128x32xf32, #tpu.memory_space<vmem>>) dst(%dma_wait3A_152 : memref<10112x32xf32, #tpu.memory_space<vmem_shared>>)
      %add3A_153 = arith.constant 1 : i32
      %add3A_154 = arith.addi %scan3A_46, %add3A_153 : i32
      %lt3A_155 = arith.constant 20 : i32
      %lt3A_156 = arith.cmpi slt, %add3A_154, %lt3A_155 : i32
      %convert_element_type3A_157 = arith.extui %lt3A_156 : i1 to i32
      %cond3A_158 = arith.constant 0 : i32
      %cond3A_159 = arith.cmpi ne, %convert_element_type3A_157, %cond3A_158 : i32
      scf.if %cond3A_159 {
        %add3A_177 = arith.constant 1 : i32
        %add3A_178 = arith.addi %scan3A_46, %add3A_177 : i32
        %mul3A_179 = arith.constant 4 : i32
        %mul3A_180 = arith.muli %add3A_178, %mul3A_179 : i32
        %add3A_181 = arith.constant 2 : i32
        %add3A_182 = arith.addi %mul3A_180, %add3A_181 : i32
        %dma_start3A_183 = arith.constant 0 : i32
        %dma_start3A_184 = tpu.memref_slice %arg8[%add3A_182, %dma_start3A_183] : memref<80x128xi32, #tpu.memory_space<vmem>> -> memref<1x128xi32, #tpu.memory_space<vmem>>
        %dma_start3A_185 = tpu.memref_squeeze %dma_start3A_184 : memref<1x128xi32, #tpu.memory_space<vmem>> -> memref<128xi32, #tpu.memory_space<vmem>>
        %dma_start3A_186 = arith.constant 0 : i32
        %dma_start3A_187 = arith.constant 0 : i32
        %dma_start3A_188 = tpu.memref_slice %arg2[%dma_start3A_186, %dma_start3A_187] : memref<10112x32xf32, #tpu.memory_space<hbm>> -> memref<10112x32xf32, #tpu.memory_space<hbm>>
        tpu.enqueue_indirect_dma source(%dma_start3A_188 : memref<10112x32xf32, #tpu.memory_space<hbm>>) target(%arg12 : memref<128x32xf32, #tpu.memory_space<vmem>>) offsets(%dma_start3A_185 : memref<128xi32, #tpu.memory_space<vmem>>) semaphore(%arg17 : memref<!tpu.dma_semaphore, #tpu.memory_space<semaphore_mem>>)
      } else {
      }
      %mul3A_160 = arith.constant 4 : i32
      %mul3A_161 = arith.muli %scan3A_46, %mul3A_160 : i32
      %add3A_162 = arith.constant 3 : i32
      %add3A_163 = arith.addi %mul3A_161, %add3A_162 : i32
      %dma_wait3A_164 = arith.constant 0 : i32
      %dma_wait3A_165 = tpu.memref_slice %arg9[%add3A_163, %dma_wait3A_164] : memref<80x128xi32, #tpu.memory_space<vmem>> -> memref<1x128xi32, #tpu.memory_space<vmem>>
      %dma_wait3A_166 = tpu.memref_squeeze %dma_wait3A_165 : memref<1x128xi32, #tpu.memory_space<vmem>> -> memref<128xi32, #tpu.memory_space<vmem>>
      %dma_wait3A_167 = arith.constant 0 : i32
      %dma_wait3A_168 = arith.constant 0 : i32
      %dma_wait3A_169 = tpu.memref_slice %arg14[%dma_wait3A_167, %dma_wait3A_168] : memref<10112x32xf32, #tpu.memory_space<vmem_shared>> -> memref<10112x32xf32, #tpu.memory_space<vmem_shared>>
      tpu.wait_indirect_dma semaphore(%arg22 : memref<!tpu.dma_semaphore, #tpu.memory_space<semaphore_mem>>) src(%arg13 : memref<128x32xf32, #tpu.memory_space<vmem>>) dst(%dma_wait3A_169 : memref<10112x32xf32, #tpu.memory_space<vmem_shared>>)
      %add3A_170 = arith.constant 1 : i32
      %add3A_171 = arith.addi %scan3A_46, %add3A_170 : i32
      %lt3A_172 = arith.constant 20 : i32
      %lt3A_173 = arith.cmpi slt, %add3A_171, %lt3A_172 : i32
      %convert_element_type3A_174 = arith.extui %lt3A_173 : i1 to i32
      %cond3A_175 = arith.constant 0 : i32
      %cond3A_176 = arith.cmpi ne, %convert_element_type3A_174, %cond3A_175 : i32
      scf.if %cond3A_176 {
        %add3A_177 = arith.constant 1 : i32
        %add3A_178 = arith.addi %scan3A_46, %add3A_177 : i32
        %mul3A_179 = arith.constant 4 : i32
        %mul3A_180 = arith.muli %add3A_178, %mul3A_179 : i32
        %add3A_181 = arith.constant 3 : i32
        %add3A_182 = arith.addi %mul3A_180, %add3A_181 : i32
        %dma_start3A_183 = arith.constant 0 : i32
        %dma_start3A_184 = tpu.memref_slice %arg8[%add3A_182, %dma_start3A_183] : memref<80x128xi32, #tpu.memory_space<vmem>> -> memref<1x128xi32, #tpu.memory_space<vmem>>
        %dma_start3A_185 = tpu.memref_squeeze %dma_start3A_184 : memref<1x128xi32, #tpu.memory_space<vmem>> -> memref<128xi32, #tpu.memory_space<vmem>>
        %dma_start3A_186 = arith.constant 0 : i32
        %dma_start3A_187 = arith.constant 0 : i32
        %dma_start3A_188 = tpu.memref_slice %arg2[%dma_start3A_186, %dma_start3A_187] : memref<10112x32xf32, #tpu.memory_space<hbm>> -> memref<10112x32xf32, #tpu.memory_space<hbm>>
        tpu.enqueue_indirect_dma source(%dma_start3A_188 : memref<10112x32xf32, #tpu.memory_space<hbm>>) target(%arg13 : memref<128x32xf32, #tpu.memory_space<vmem>>) offsets(%dma_start3A_185 : memref<128xi32, #tpu.memory_space<vmem>>) semaphore(%arg18 : memref<!tpu.dma_semaphore, #tpu.memory_space<semaphore_mem>>)
      } else {
      }
    }
    %scan3A_37 = arith.constant 20 : i32
    %barrier3A_38 = arith.constant 0 : index
    tpu.barrier barrier_id(%barrier3A_38)
    %eq3A = arith.constant 0 : i32
    %eq3A_39 = arith.cmpi eq, %arg0, %eq3A : i32
    %convert_element_type3A = arith.extui %eq3A_39 : i1 to i32
    %cond3A = arith.constant 0 : i32
    %cond3A_40 = arith.cmpi ne, %convert_element_type3A, %cond3A : i32
    scf.if %cond3A_40 {
      "tpu.region"() ({
        %run_scoped3A = tpu.sem_alloc : memref<!tpu.dma_semaphore, #tpu.memory_space<semaphore_mem>>
        %dma_start3A_46 = arith.constant 0 : i32
        %dma_start3A_47 = tpu.memref_slice %arg6[%mul3A_0, %dma_start3A_46] : memref<10112x32xf32, #tpu.memory_space<hbm>> -> memref<632x32xf32, #tpu.memory_space<hbm>>
        %dma_start3A_48 = arith.constant 0 : i32
        %dma_start3A_49 = tpu.memref_slice %arg14[%mul3A_0, %dma_start3A_48] : memref<10112x32xf32, #tpu.memory_space<vmem_shared>> -> memref<632x32xf32, #tpu.memory_space<vmem_shared>>
        tpu.enqueue_dma source(%dma_start3A_49 : memref<632x32xf32, #tpu.memory_space<vmem_shared>>) target(%dma_start3A_47 : memref<632x32xf32, #tpu.memory_space<hbm>>) target_semaphore(%run_scoped3A : memref<!tpu.dma_semaphore, #tpu.memory_space<semaphore_mem>>)
        %dma_wait3A = arith.constant 0 : i32
        %dma_wait3A_50 = tpu.memref_slice %arg6[%mul3A_0, %dma_wait3A] : memref<10112x32xf32, #tpu.memory_space<hbm>> -> memref<632x32xf32, #tpu.memory_space<hbm>>
        %dma_wait3A_51 = arith.constant 0 : i32
        %dma_wait3A_52 = tpu.memref_slice %arg14[%mul3A_0, %dma_wait3A_51] : memref<10112x32xf32, #tpu.memory_space<vmem_shared>> -> memref<632x32xf32, #tpu.memory_space<vmem_shared>>
        tpu.wait_dma2 semaphore(%run_scoped3A : memref<!tpu.dma_semaphore, #tpu.memory_space<semaphore_mem>>) src(%dma_wait3A_52 : memref<632x32xf32, #tpu.memory_space<vmem_shared>>) dst(%dma_wait3A_50 : memref<632x32xf32, #tpu.memory_space<hbm>>)
        tpu.yield
      }) : () -> ()
    } else {
    }
    %eq3A_41 = arith.constant 1 : i32
    %eq3A_42 = arith.cmpi eq, %arg0, %eq3A_41 : i32
    %convert_element_type3A_43 = arith.extui %eq3A_42 : i1 to i32
    %cond3A_44 = arith.constant 0 : i32
    %cond3A_45 = arith.cmpi ne, %convert_element_type3A_43, %cond3A_44 : i32
    scf.if %cond3A_45 {
      "tpu.region"() ({
        %run_scoped3A = tpu.sem_alloc : memref<!tpu.dma_semaphore, #tpu.memory_space<semaphore_mem>>
        %dma_start3A_46 = arith.constant 0 : i32
        %dma_start3A_47 = tpu.memref_slice %arg7[%mul3A_0, %dma_start3A_46] : memref<10112x32xf32, #tpu.memory_space<hbm>> -> memref<632x32xf32, #tpu.memory_space<hbm>>
        %dma_start3A_48 = arith.constant 0 : i32
        %dma_start3A_49 = tpu.memref_slice %arg14[%mul3A_0, %dma_start3A_48] : memref<10112x32xf32, #tpu.memory_space<vmem_shared>> -> memref<632x32xf32, #tpu.memory_space<vmem_shared>>
        tpu.enqueue_dma source(%dma_start3A_49 : memref<632x32xf32, #tpu.memory_space<vmem_shared>>) target(%dma_start3A_47 : memref<632x32xf32, #tpu.memory_space<hbm>>) target_semaphore(%run_scoped3A : memref<!tpu.dma_semaphore, #tpu.memory_space<semaphore_mem>>)
        %dma_wait3A = arith.constant 0 : i32
        %dma_wait3A_50 = tpu.memref_slice %arg7[%mul3A_0, %dma_wait3A] : memref<10112x32xf32, #tpu.memory_space<hbm>> -> memref<632x32xf32, #tpu.memory_space<hbm>>
        %dma_wait3A_51 = arith.constant 0 : i32
        %dma_wait3A_52 = tpu.memref_slice %arg14[%mul3A_0, %dma_wait3A_51] : memref<10112x32xf32, #tpu.memory_space<vmem_shared>> -> memref<632x32xf32, #tpu.memory_space<vmem_shared>>
        tpu.wait_dma2 semaphore(%run_scoped3A : memref<!tpu.dma_semaphore, #tpu.memory_space<semaphore_mem>>) src(%dma_wait3A_52 : memref<632x32xf32, #tpu.memory_space<vmem_shared>>) dst(%dma_wait3A_50 : memref<632x32xf32, #tpu.memory_space<hbm>>)
        tpu.yield
      }) : () -> ()
    } else {
    }
    return
  }
}

#map = affine_map<(d0, d1) -> (0, 0, 0)>
#map1 = affine_map<(d0, d1) -> (0, 0)>
module attributes {stable_mosaic.version = 14 : i64} {
  func.func @deg_kernel(%arg0: i32, %arg1: i32, %arg2: memref<32x80x128xi32, #tpu.memory_space<hbm>>, %arg3: memref<10112x8xf32, #tpu.memory_space<hbm>>, %arg4: memref<128x8xf32, #tpu.memory_space<hbm>>, %arg5: memref<10112x8xf32, #tpu.memory_space<hbm>>, %arg6: memref<10112x8xf32, #tpu.memory_space<hbm>>, %arg7: memref<80x128xi32, #tpu.memory_space<vmem>>, %arg8: memref<128x8xf32, #tpu.memory_space<vmem>>, %arg9: memref<10112x8xf32, #tpu.memory_space<vmem_shared>>, %arg10: memref<!tpu.dma_semaphore, #tpu.memory_space<semaphore_mem>>) attributes {dimension_semantics = [#tpu.dimension_semantics<core_parallel>, #tpu.dimension_semantics<subcore_parallel>], iteration_bounds = array<i64: 2, 16>, scalar_prefetch = 0 : i64, scratch_operands = 4 : i64, tpu.core_type = #tpu.core_type<sc_vector_subcore>, window_params = [{transform_indices = #map}, {transform_indices = #map1}, {transform_indices = #map1}, {transform_indices = #map1}, {transform_indices = #map1}]} {
    %mul3A = arith.constant 632 : i32
    %mul3A_0 = arith.muli %arg1, %mul3A : i32
    "tpu.region"() ({
      %run_scoped3A = tpu.sem_alloc : memref<!tpu.dma_semaphore, #tpu.memory_space<semaphore_mem>>
      %dma_start3A = arith.constant 0 : i32
      %dma_start3A_22 = tpu.memref_slice %arg9[%mul3A_0, %dma_start3A] : memref<10112x8xf32, #tpu.memory_space<vmem_shared>> -> memref<632x8xf32, #tpu.memory_space<vmem_shared>>
      %dma_start3A_23 = arith.constant 0 : i32
      %dma_start3A_24 = tpu.memref_slice %arg3[%mul3A_0, %dma_start3A_23] : memref<10112x8xf32, #tpu.memory_space<hbm>> -> memref<632x8xf32, #tpu.memory_space<hbm>>
      tpu.enqueue_dma source(%dma_start3A_24 : memref<632x8xf32, #tpu.memory_space<hbm>>) target(%dma_start3A_22 : memref<632x8xf32, #tpu.memory_space<vmem_shared>>) target_semaphore(%run_scoped3A : memref<!tpu.dma_semaphore, #tpu.memory_space<semaphore_mem>>)
      %dma_wait3A = arith.constant 0 : i32
      %dma_wait3A_25 = tpu.memref_slice %arg9[%mul3A_0, %dma_wait3A] : memref<10112x8xf32, #tpu.memory_space<vmem_shared>> -> memref<632x8xf32, #tpu.memory_space<vmem_shared>>
      %dma_wait3A_26 = arith.constant 0 : i32
      %dma_wait3A_27 = tpu.memref_slice %arg3[%mul3A_0, %dma_wait3A_26] : memref<10112x8xf32, #tpu.memory_space<hbm>> -> memref<632x8xf32, #tpu.memory_space<hbm>>
      tpu.wait_dma2 semaphore(%run_scoped3A : memref<!tpu.dma_semaphore, #tpu.memory_space<semaphore_mem>>) src(%dma_wait3A_27 : memref<632x8xf32, #tpu.memory_space<hbm>>) dst(%dma_wait3A_25 : memref<632x8xf32, #tpu.memory_space<vmem_shared>>)
      tpu.yield
    }) : () -> ()
    "tpu.region"() ({
      %run_scoped3A = tpu.sem_alloc : memref<!tpu.dma_semaphore, #tpu.memory_space<semaphore_mem>>
      tpu.enqueue_dma source(%arg4 : memref<128x8xf32, #tpu.memory_space<hbm>>) target(%arg8 : memref<128x8xf32, #tpu.memory_space<vmem>>) target_semaphore(%run_scoped3A : memref<!tpu.dma_semaphore, #tpu.memory_space<semaphore_mem>>)
      tpu.wait_dma2 semaphore(%run_scoped3A : memref<!tpu.dma_semaphore, #tpu.memory_space<semaphore_mem>>) src(%arg4 : memref<128x8xf32, #tpu.memory_space<hbm>>) dst(%arg8 : memref<128x8xf32, #tpu.memory_space<vmem>>)
      tpu.yield
    }) : () -> ()
    %mul3A_1 = arith.constant 16 : i32
    %mul3A_2 = arith.muli %arg0, %mul3A_1 : i32
    %add3A = arith.addi %mul3A_2, %arg1 : i32
    "tpu.region"() ({
      %run_scoped3A = tpu.sem_alloc : memref<!tpu.dma_semaphore, #tpu.memory_space<semaphore_mem>>
      %dma_start3A = arith.constant 0 : i32
      %dma_start3A_22 = arith.constant 0 : i32
      %dma_start3A_23 = tpu.memref_slice %arg2[%add3A, %dma_start3A, %dma_start3A_22] : memref<32x80x128xi32, #tpu.memory_space<hbm>> -> memref<1x80x128xi32, #tpu.memory_space<hbm>>
      %dma_start3A_24 = tpu.memref_squeeze %dma_start3A_23 : memref<1x80x128xi32, #tpu.memory_space<hbm>> -> memref<80x128xi32, #tpu.memory_space<hbm>>
      %dma_start3A_25 = arith.constant 0 : i32
      %dma_start3A_26 = arith.constant 0 : i32
      %dma_start3A_27 = tpu.memref_slice %arg2[%add3A, %dma_start3A_25, %dma_start3A_26] : memref<32x80x128xi32, #tpu.memory_space<hbm>> -> memref<1x80x128xi32, #tpu.memory_space<hbm>>
      %dma_start3A_28 = tpu.memref_squeeze %dma_start3A_27 : memref<1x80x128xi32, #tpu.memory_space<hbm>> -> memref<80x128xi32, #tpu.memory_space<hbm>>
      tpu.enqueue_dma source(%dma_start3A_28 : memref<80x128xi32, #tpu.memory_space<hbm>>) target(%arg7 : memref<80x128xi32, #tpu.memory_space<vmem>>) target_semaphore(%run_scoped3A : memref<!tpu.dma_semaphore, #tpu.memory_space<semaphore_mem>>)
      %dma_wait3A = arith.constant 0 : i32
      %dma_wait3A_29 = arith.constant 0 : i32
      %dma_wait3A_30 = tpu.memref_slice %arg2[%add3A, %dma_wait3A, %dma_wait3A_29] : memref<32x80x128xi32, #tpu.memory_space<hbm>> -> memref<1x80x128xi32, #tpu.memory_space<hbm>>
      %dma_wait3A_31 = tpu.memref_squeeze %dma_wait3A_30 : memref<1x80x128xi32, #tpu.memory_space<hbm>> -> memref<80x128xi32, #tpu.memory_space<hbm>>
      %dma_wait3A_32 = arith.constant 0 : i32
      %dma_wait3A_33 = arith.constant 0 : i32
      %dma_wait3A_34 = tpu.memref_slice %arg2[%add3A, %dma_wait3A_32, %dma_wait3A_33] : memref<32x80x128xi32, #tpu.memory_space<hbm>> -> memref<1x80x128xi32, #tpu.memory_space<hbm>>
      %dma_wait3A_35 = tpu.memref_squeeze %dma_wait3A_34 : memref<1x80x128xi32, #tpu.memory_space<hbm>> -> memref<80x128xi32, #tpu.memory_space<hbm>>
      tpu.wait_dma2 semaphore(%run_scoped3A : memref<!tpu.dma_semaphore, #tpu.memory_space<semaphore_mem>>) src(%dma_wait3A_35 : memref<80x128xi32, #tpu.memory_space<hbm>>) dst(%arg7 : memref<80x128xi32, #tpu.memory_space<vmem>>)
      tpu.yield
    }) : () -> ()
    %barrier3A = arith.constant 0 : index
    tpu.barrier barrier_id(%barrier3A)
    %scan3A = arith.constant 0 : i32
    %scan3A_3 = arith.constant 0 : i32
    %scan3A_4 = arith.constant 80 : i32
    %scan3A_5 = arith.addi %scan3A_3, %scan3A_4 : i32
    %scan3A_6 = arith.constant 1 : i32
    scf.for %scan3A_22 = %scan3A_3 to %scan3A_5 step %scan3A_6  : i32 {
      %dma_start3A = arith.constant 0 : i32
      %dma_start3A_23 = tpu.memref_slice %arg7[%scan3A_22, %dma_start3A] : memref<80x128xi32, #tpu.memory_space<vmem>> -> memref<1x128xi32, #tpu.memory_space<vmem>>
      %dma_start3A_24 = tpu.memref_squeeze %dma_start3A_23 : memref<1x128xi32, #tpu.memory_space<vmem>> -> memref<128xi32, #tpu.memory_space<vmem>>
      %dma_start3A_25 = arith.constant 0 : i32
      %dma_start3A_26 = arith.constant 0 : i32
      %dma_start3A_27 = tpu.memref_slice %arg9[%dma_start3A_25, %dma_start3A_26] : memref<10112x8xf32, #tpu.memory_space<vmem_shared>> -> memref<10112x8xf32, #tpu.memory_space<vmem_shared>>
      tpu.enqueue_indirect_dma source(%arg8 : memref<128x8xf32, #tpu.memory_space<vmem>>) target(%dma_start3A_27 : memref<10112x8xf32, #tpu.memory_space<vmem_shared>>) offsets(%dma_start3A_24 : memref<128xi32, #tpu.memory_space<vmem>>) semaphore(%arg10 : memref<!tpu.dma_semaphore, #tpu.memory_space<semaphore_mem>>) {add = true}
    }
    %scan3A_7 = arith.constant 80 : i32
    %scan3A_8 = arith.constant 0 : i32
    %scan3A_9 = arith.constant 0 : i32
    %scan3A_10 = arith.constant 80 : i32
    %scan3A_11 = arith.addi %scan3A_9, %scan3A_10 : i32
    %scan3A_12 = arith.constant 1 : i32
    scf.for %scan3A_22 = %scan3A_9 to %scan3A_11 step %scan3A_12  : i32 {
      %dma_wait3A = arith.constant 0 : i32
      %dma_wait3A_23 = arith.constant 0 : i32
      %dma_wait3A_24 = tpu.memref_slice %arg7[%dma_wait3A, %dma_wait3A_23] : memref<80x128xi32, #tpu.memory_space<vmem>> -> memref<1x128xi32, #tpu.memory_space<vmem>>
      %dma_wait3A_25 = tpu.memref_squeeze %dma_wait3A_24 : memref<1x128xi32, #tpu.memory_space<vmem>> -> memref<128xi32, #tpu.memory_space<vmem>>
      %dma_wait3A_26 = arith.constant 0 : i32
      %dma_wait3A_27 = arith.constant 0 : i32
      %dma_wait3A_28 = tpu.memref_slice %arg9[%dma_wait3A_26, %dma_wait3A_27] : memref<10112x8xf32, #tpu.memory_space<vmem_shared>> -> memref<10112x8xf32, #tpu.memory_space<vmem_shared>>
      tpu.wait_indirect_dma semaphore(%arg10 : memref<!tpu.dma_semaphore, #tpu.memory_space<semaphore_mem>>) src(%arg8 : memref<128x8xf32, #tpu.memory_space<vmem>>) dst(%dma_wait3A_28 : memref<10112x8xf32, #tpu.memory_space<vmem_shared>>)
    }
    %scan3A_13 = arith.constant 80 : i32
    %barrier3A_14 = arith.constant 0 : index
    tpu.barrier barrier_id(%barrier3A_14)
    %eq3A = arith.constant 0 : i32
    %eq3A_15 = arith.cmpi eq, %arg0, %eq3A : i32
    %convert_element_type3A = arith.extui %eq3A_15 : i1 to i32
    %cond3A = arith.constant 0 : i32
    %cond3A_16 = arith.cmpi ne, %convert_element_type3A, %cond3A : i32
    scf.if %cond3A_16 {
      "tpu.region"() ({
        %run_scoped3A = tpu.sem_alloc : memref<!tpu.dma_semaphore, #tpu.memory_space<semaphore_mem>>
        %dma_start3A = arith.constant 0 : i32
        %dma_start3A_22 = tpu.memref_slice %arg5[%mul3A_0, %dma_start3A] : memref<10112x8xf32, #tpu.memory_space<hbm>> -> memref<632x8xf32, #tpu.memory_space<hbm>>
        %dma_start3A_23 = arith.constant 0 : i32
        %dma_start3A_24 = tpu.memref_slice %arg9[%mul3A_0, %dma_start3A_23] : memref<10112x8xf32, #tpu.memory_space<vmem_shared>> -> memref<632x8xf32, #tpu.memory_space<vmem_shared>>
        tpu.enqueue_dma source(%dma_start3A_24 : memref<632x8xf32, #tpu.memory_space<vmem_shared>>) target(%dma_start3A_22 : memref<632x8xf32, #tpu.memory_space<hbm>>) target_semaphore(%run_scoped3A : memref<!tpu.dma_semaphore, #tpu.memory_space<semaphore_mem>>)
        %dma_wait3A = arith.constant 0 : i32
        %dma_wait3A_25 = tpu.memref_slice %arg5[%mul3A_0, %dma_wait3A] : memref<10112x8xf32, #tpu.memory_space<hbm>> -> memref<632x8xf32, #tpu.memory_space<hbm>>
        %dma_wait3A_26 = arith.constant 0 : i32
        %dma_wait3A_27 = tpu.memref_slice %arg9[%mul3A_0, %dma_wait3A_26] : memref<10112x8xf32, #tpu.memory_space<vmem_shared>> -> memref<632x8xf32, #tpu.memory_space<vmem_shared>>
        tpu.wait_dma2 semaphore(%run_scoped3A : memref<!tpu.dma_semaphore, #tpu.memory_space<semaphore_mem>>) src(%dma_wait3A_27 : memref<632x8xf32, #tpu.memory_space<vmem_shared>>) dst(%dma_wait3A_25 : memref<632x8xf32, #tpu.memory_space<hbm>>)
        tpu.yield
      }) : () -> ()
    } else {
    }
    %eq3A_17 = arith.constant 1 : i32
    %eq3A_18 = arith.cmpi eq, %arg0, %eq3A_17 : i32
    %convert_element_type3A_19 = arith.extui %eq3A_18 : i1 to i32
    %cond3A_20 = arith.constant 0 : i32
    %cond3A_21 = arith.cmpi ne, %convert_element_type3A_19, %cond3A_20 : i32
    scf.if %cond3A_21 {
      "tpu.region"() ({
        %run_scoped3A = tpu.sem_alloc : memref<!tpu.dma_semaphore, #tpu.memory_space<semaphore_mem>>
        %dma_start3A = arith.constant 0 : i32
        %dma_start3A_22 = tpu.memref_slice %arg6[%mul3A_0, %dma_start3A] : memref<10112x8xf32, #tpu.memory_space<hbm>> -> memref<632x8xf32, #tpu.memory_space<hbm>>
        %dma_start3A_23 = arith.constant 0 : i32
        %dma_start3A_24 = tpu.memref_slice %arg9[%mul3A_0, %dma_start3A_23] : memref<10112x8xf32, #tpu.memory_space<vmem_shared>> -> memref<632x8xf32, #tpu.memory_space<vmem_shared>>
        tpu.enqueue_dma source(%dma_start3A_24 : memref<632x8xf32, #tpu.memory_space<vmem_shared>>) target(%dma_start3A_22 : memref<632x8xf32, #tpu.memory_space<hbm>>) target_semaphore(%run_scoped3A : memref<!tpu.dma_semaphore, #tpu.memory_space<semaphore_mem>>)
        %dma_wait3A = arith.constant 0 : i32
        %dma_wait3A_25 = tpu.memref_slice %arg6[%mul3A_0, %dma_wait3A] : memref<10112x8xf32, #tpu.memory_space<hbm>> -> memref<632x8xf32, #tpu.memory_space<hbm>>
        %dma_wait3A_26 = arith.constant 0 : i32
        %dma_wait3A_27 = tpu.memref_slice %arg9[%mul3A_0, %dma_wait3A_26] : memref<10112x8xf32, #tpu.memory_space<vmem_shared>> -> memref<632x8xf32, #tpu.memory_space<vmem_shared>>
        tpu.wait_dma2 semaphore(%run_scoped3A : memref<!tpu.dma_semaphore, #tpu.memory_space<semaphore_mem>>) src(%dma_wait3A_27 : memref<632x8xf32, #tpu.memory_space<vmem_shared>>) dst(%dma_wait3A_25 : memref<632x8xf32, #tpu.memory_space<hbm>>)
        tpu.yield
      }) : () -> ()
    } else {
    }
    return
  }
}

module attributes {stable_mosaic.version = 14 : i64} {
  func.func @body(%arg0: memref<10112x128xf32, #tpu.memory_space<vmem>>, %arg1: memref<128x32xf32, #tpu.memory_space<vmem>>, %arg2: memref<10112x8xf32, #tpu.memory_space<vmem>>, %arg3: memref<10112x8xf32, #tpu.memory_space<vmem>>, %arg4: memref<10112x32xf32, #tpu.memory_space<vmem>>, %arg5: memref<10112x32xf32, #tpu.memory_space<vmem>>) attributes {dimension_semantics = [], scalar_prefetch = 0 : i64, scratch_operands = 0 : i64, tpu.core_type = #tpu.core_type<tc>} {
    %get3A = arith.constant 0 : index
    %get3A_0 = arith.constant 0 : index
    %get3A_1 = vector.load %arg2[%get3A, %get3A_0] : memref<10112x8xf32, #tpu.memory_space<vmem>>, vector<10112x1xf32>
    %get3A_2 = arith.constant 0 : index
    %get3A_3 = arith.constant 0 : index
    %get3A_4 = vector.load %arg3[%get3A_2, %get3A_3] : memref<10112x8xf32, #tpu.memory_space<vmem>>, vector<10112x1xf32>
    %add3A = arith.addf %get3A_1, %get3A_4 : vector<10112x1xf32>
    %add3A_5 = arith.constant 1.000000e+00 : f32
    %add3A_6 = vector.broadcast %add3A_5 : f32 to vector<10112x1xf32>
    %add3A_7 = arith.addf %add3A, %add3A_6 : vector<10112x1xf32>
    %rsqrt3A = math.rsqrt %add3A_7 : vector<10112x1xf32>
    %get3A_8 = arith.constant 0 : index
    %get3A_9 = arith.constant 0 : index
    %get3A_10 = vector.load %arg0[%get3A_8, %get3A_9] : memref<10112x128xf32, #tpu.memory_space<vmem>>, vector<10112x128xf32>
    %get3A_11 = arith.constant 0 : index
    %get3A_12 = arith.constant 0 : index
    %get3A_13 = vector.load %arg1[%get3A_11, %get3A_12] : memref<128x32xf32, #tpu.memory_space<vmem>>, vector<128x32xf32>
    %dot_general3A = arith.constant dense<0.000000e+00> : vector<10112x32xf32>
    %dot_general3A_14 = tpu.matmul %get3A_10, %get3A_13, %dot_general3A {dimension_numbers = #tpu.dot_dimension_numbers<[1], [0], [0], [1], [0, 0, 1, 1], [], []>, transpose_lhs_hint = false} : vector<10112x128xf32>, vector<128x32xf32>, vector<10112x32xf32> -> vector<10112x32xf32>
    %iota3A = tpu.iota {dimensions = array<i32: 0>} : vector<10112x1xi32>
    %lt3A = arith.constant 10000 : i32
    %lt3A_15 = vector.broadcast %lt3A : i32 to vector<10112x1xi32>
    %lt3A_16 = arith.cmpi slt, %iota3A, %lt3A_15 : vector<10112x1xi32>
    %swap3A = arith.constant 0 : index
    %swap3A_17 = arith.constant 0 : index
    %swap3A_18 = vector.load %arg4[%swap3A, %swap3A_17] : memref<10112x32xf32, #tpu.memory_space<vmem>>, vector<10112x32xf32>
    tpu.vector_store %arg4[%swap3A, %swap3A_17], %dot_general3A_14 {strides = array<i32>} : memref<10112x32xf32, #tpu.memory_space<vmem>>, vector<10112x32xf32>,
    %mul3A = vector.broadcast %rsqrt3A : vector<10112x1xf32> to vector<10112x32xf32>
    %mul3A_19 = arith.mulf %dot_general3A_14, %mul3A : vector<10112x32xf32>
    %jit3A = arith.constant 0.000000e+00 : f32
    %broadcast_in_dim3A = vector.shape_cast %lt3A_16 : vector<10112x1xi1> to vector<10112x1xi1>
    %broadcast_in_dim3A_20 = vector.broadcast %broadcast_in_dim3A : vector<10112x1xi1> to vector<10112x32xi1>
    %broadcast_in_dim3A_21 = vector.broadcast %jit3A : f32 to vector<10112x32xf32>
    %select_n3A = arith.select %broadcast_in_dim3A_20, %mul3A_19, %broadcast_in_dim3A_21 : vector<10112x32xi1>, vector<10112x32xf32>
    %swap3A_22 = arith.constant 0 : index
    %swap3A_23 = arith.constant 0 : index
    %swap3A_24 = vector.load %arg5[%swap3A_22, %swap3A_23] : memref<10112x32xf32, #tpu.memory_space<vmem>>, vector<10112x32xf32>
    tpu.vector_store %arg5[%swap3A_22, %swap3A_23], %select_n3A {strides = array<i32>} : memref<10112x32xf32, #tpu.memory_space<vmem>>, vector<10112x32xf32>,
    return
  }
}

module attributes {stable_mosaic.version = 14 : i64} {
  func.func @body(%arg0: memref<10112x32xf32, #tpu.memory_space<vmem>>, %arg1: memref<10112x32xf32, #tpu.memory_space<vmem>>, %arg2: memref<10112x32xf32, #tpu.memory_space<vmem>>, %arg3: memref<10112x8xf32, #tpu.memory_space<vmem>>, %arg4: memref<10112x8xf32, #tpu.memory_space<vmem>>, %arg5: memref<1x32xf32, #tpu.memory_space<vmem>>, %arg6: memref<32x32xf32, #tpu.memory_space<vmem>>, %arg7: memref<10112x32xf32, #tpu.memory_space<vmem>>, %arg8: memref<10112x32xf32, #tpu.memory_space<vmem>>) attributes {dimension_semantics = [], scalar_prefetch = 0 : i64, scratch_operands = 0 : i64, tpu.core_type = #tpu.core_type<tc>} {
    %get3A = arith.constant 0 : index
    %get3A_0 = arith.constant 0 : index
    %get3A_1 = vector.load %arg3[%get3A, %get3A_0] : memref<10112x8xf32, #tpu.memory_space<vmem>>, vector<10112x1xf32>
    %get3A_2 = arith.constant 0 : index
    %get3A_3 = arith.constant 0 : index
    %get3A_4 = vector.load %arg4[%get3A_2, %get3A_3] : memref<10112x8xf32, #tpu.memory_space<vmem>>, vector<10112x1xf32>
    %add3A = arith.addf %get3A_1, %get3A_4 : vector<10112x1xf32>
    %add3A_5 = arith.constant 1.000000e+00 : f32
    %add3A_6 = vector.broadcast %add3A_5 : f32 to vector<10112x1xf32>
    %add3A_7 = arith.addf %add3A, %add3A_6 : vector<10112x1xf32>
    %rsqrt3A = math.rsqrt %add3A_7 : vector<10112x1xf32>
    %mul3A = arith.mulf %rsqrt3A, %rsqrt3A : vector<10112x1xf32>
    %get3A_8 = arith.constant 0 : index
    %get3A_9 = arith.constant 0 : index
    %get3A_10 = vector.load %arg0[%get3A_8, %get3A_9] : memref<10112x32xf32, #tpu.memory_space<vmem>>, vector<10112x32xf32>
    %get3A_11 = arith.constant 0 : index
    %get3A_12 = arith.constant 0 : index
    %get3A_13 = vector.load %arg1[%get3A_11, %get3A_12] : memref<10112x32xf32, #tpu.memory_space<vmem>>, vector<10112x32xf32>
    %add3A_14 = arith.addf %get3A_10, %get3A_13 : vector<10112x32xf32>
    %mul3A_15 = vector.broadcast %rsqrt3A : vector<10112x1xf32> to vector<10112x32xf32>
    %mul3A_16 = arith.mulf %mul3A_15, %add3A_14 : vector<10112x32xf32>
    %get3A_17 = arith.constant 0 : index
    %get3A_18 = arith.constant 0 : index
    %get3A_19 = vector.load %arg2[%get3A_17, %get3A_18] : memref<10112x32xf32, #tpu.memory_space<vmem>>, vector<10112x32xf32>
    %mul3A_20 = vector.broadcast %mul3A : vector<10112x1xf32> to vector<10112x32xf32>
    %mul3A_21 = arith.mulf %get3A_19, %mul3A_20 : vector<10112x32xf32>
    %add3A_22 = arith.addf %mul3A_16, %mul3A_21 : vector<10112x32xf32>
    %get3A_23 = arith.constant 0 : index
    %get3A_24 = arith.constant 0 : index
    %get3A_25 = vector.load %arg5[%get3A_23, %get3A_24] : memref<1x32xf32, #tpu.memory_space<vmem>>, vector<1x32xf32>
    %add3A_26 = vector.broadcast %get3A_25 : vector<1x32xf32> to vector<10112x32xf32>
    %add3A_27 = arith.addf %add3A_22, %add3A_26 : vector<10112x32xf32>
    %max3A = arith.constant 0.000000e+00 : f32
    %max3A_28 = vector.broadcast %max3A : f32 to vector<10112x32xf32>
    %max3A_29 = arith.maximumf %add3A_27, %max3A_28 : vector<10112x32xf32>
    %get3A_30 = arith.constant 0 : index
    %get3A_31 = arith.constant 0 : index
    %get3A_32 = vector.load %arg6[%get3A_30, %get3A_31] : memref<32x32xf32, #tpu.memory_space<vmem>>, vector<32x32xf32>
    %dot_general3A = arith.constant dense<0.000000e+00> : vector<10112x32xf32>
    %dot_general3A_33 = tpu.matmul %max3A_29, %get3A_32, %dot_general3A {dimension_numbers = #tpu.dot_dimension_numbers<[1], [0], [0], [1], [0, 0, 1, 1], [], []>, transpose_lhs_hint = false} : vector<10112x32xf32>, vector<32x32xf32>, vector<10112x32xf32> -> vector<10112x32xf32>
    %iota3A = tpu.iota {dimensions = array<i32: 0>} : vector<10112x1xi32>
    %lt3A = arith.constant 10000 : i32
    %lt3A_34 = vector.broadcast %lt3A : i32 to vector<10112x1xi32>
    %lt3A_35 = arith.cmpi slt, %iota3A, %lt3A_34 : vector<10112x1xi32>
    %swap3A = arith.constant 0 : index
    %swap3A_36 = arith.constant 0 : index
    %swap3A_37 = vector.load %arg7[%swap3A, %swap3A_36] : memref<10112x32xf32, #tpu.memory_space<vmem>>, vector<10112x32xf32>
    tpu.vector_store %arg7[%swap3A, %swap3A_36], %dot_general3A_33 {strides = array<i32>} : memref<10112x32xf32, #tpu.memory_space<vmem>>, vector<10112x32xf32>,
    %mul3A_38 = vector.broadcast %rsqrt3A : vector<10112x1xf32> to vector<10112x32xf32>
    %mul3A_39 = arith.mulf %dot_general3A_33, %mul3A_38 : vector<10112x32xf32>
    %jit3A = arith.constant 0.000000e+00 : f32
    %broadcast_in_dim3A = vector.shape_cast %lt3A_35 : vector<10112x1xi1> to vector<10112x1xi1>
    %broadcast_in_dim3A_40 = vector.broadcast %broadcast_in_dim3A : vector<10112x1xi1> to vector<10112x32xi1>
    %broadcast_in_dim3A_41 = vector.broadcast %jit3A : f32 to vector<10112x32xf32>
    %select_n3A = arith.select %broadcast_in_dim3A_40, %mul3A_39, %broadcast_in_dim3A_41 : vector<10112x32xi1>, vector<10112x32xf32>
    %swap3A_42 = arith.constant 0 : index
    %swap3A_43 = arith.constant 0 : index
    %swap3A_44 = vector.load %arg8[%swap3A_42, %swap3A_43] : memref<10112x32xf32, #tpu.memory_space<vmem>>, vector<10112x32xf32>
    tpu.vector_store %arg8[%swap3A_42, %swap3A_43], %select_n3A {strides = array<i32>} : memref<10112x32xf32, #tpu.memory_space<vmem>>, vector<10112x32xf32>,
    return
  }
}

module attributes {stable_mosaic.version = 14 : i64} {
  func.func @body(%arg0: memref<10112x32xf32, #tpu.memory_space<vmem>>, %arg1: memref<10112x32xf32, #tpu.memory_space<vmem>>, %arg2: memref<10112x32xf32, #tpu.memory_space<vmem>>, %arg3: memref<10112x8xf32, #tpu.memory_space<vmem>>, %arg4: memref<10112x8xf32, #tpu.memory_space<vmem>>, %arg5: memref<1x32xf32, #tpu.memory_space<vmem>>, %arg6: memref<1x10112xi32, #tpu.memory_space<vmem>>, %arg7: memref<32x32xf32, #tpu.memory_space<vmem>>, %arg8: memref<1x32xf32, #tpu.memory_space<vmem>>, %arg9: memref<32x1xf32, #tpu.memory_space<vmem>>, %arg10: memref<1x1xf32, #tpu.memory_space<vmem>>, %arg11: memref<64x1xf32, #tpu.memory_space<vmem>>) attributes {dimension_semantics = [], scalar_prefetch = 0 : i64, scratch_operands = 0 : i64, tpu.core_type = #tpu.core_type<tc>} {
    %get3A = arith.constant 0 : index
    %get3A_0 = arith.constant 0 : index
    %get3A_1 = vector.load %arg3[%get3A, %get3A_0] : memref<10112x8xf32, #tpu.memory_space<vmem>>, vector<10112x1xf32>
    %get3A_2 = arith.constant 0 : index
    %get3A_3 = arith.constant 0 : index
    %get3A_4 = vector.load %arg4[%get3A_2, %get3A_3] : memref<10112x8xf32, #tpu.memory_space<vmem>>, vector<10112x1xf32>
    %add3A = arith.addf %get3A_1, %get3A_4 : vector<10112x1xf32>
    %add3A_5 = arith.constant 1.000000e+00 : f32
    %add3A_6 = vector.broadcast %add3A_5 : f32 to vector<10112x1xf32>
    %add3A_7 = arith.addf %add3A, %add3A_6 : vector<10112x1xf32>
    %rsqrt3A = math.rsqrt %add3A_7 : vector<10112x1xf32>
    %mul3A = arith.mulf %rsqrt3A, %rsqrt3A : vector<10112x1xf32>
    %get3A_8 = arith.constant 0 : index
    %get3A_9 = arith.constant 0 : index
    %get3A_10 = vector.load %arg0[%get3A_8, %get3A_9] : memref<10112x32xf32, #tpu.memory_space<vmem>>, vector<10112x32xf32>
    %get3A_11 = arith.constant 0 : index
    %get3A_12 = arith.constant 0 : index
    %get3A_13 = vector.load %arg1[%get3A_11, %get3A_12] : memref<10112x32xf32, #tpu.memory_space<vmem>>, vector<10112x32xf32>
    %add3A_14 = arith.addf %get3A_10, %get3A_13 : vector<10112x32xf32>
    %mul3A_15 = vector.broadcast %rsqrt3A : vector<10112x1xf32> to vector<10112x32xf32>
    %mul3A_16 = arith.mulf %mul3A_15, %add3A_14 : vector<10112x32xf32>
    %get3A_17 = arith.constant 0 : index
    %get3A_18 = arith.constant 0 : index
    %get3A_19 = vector.load %arg2[%get3A_17, %get3A_18] : memref<10112x32xf32, #tpu.memory_space<vmem>>, vector<10112x32xf32>
    %mul3A_20 = vector.broadcast %mul3A : vector<10112x1xf32> to vector<10112x32xf32>
    %mul3A_21 = arith.mulf %get3A_19, %mul3A_20 : vector<10112x32xf32>
    %add3A_22 = arith.addf %mul3A_16, %mul3A_21 : vector<10112x32xf32>
    %get3A_23 = arith.constant 0 : index
    %get3A_24 = arith.constant 0 : index
    %get3A_25 = vector.load %arg5[%get3A_23, %get3A_24] : memref<1x32xf32, #tpu.memory_space<vmem>>, vector<1x32xf32>
    %add3A_26 = vector.broadcast %get3A_25 : vector<1x32xf32> to vector<10112x32xf32>
    %add3A_27 = arith.addf %add3A_22, %add3A_26 : vector<10112x32xf32>
    %iota3A = tpu.iota {dimensions = array<i32: 0>} : vector<64x10112xi32>
    %get3A_28 = arith.constant 0 : index
    %get3A_29 = arith.constant 0 : index
    %get3A_30 = vector.load %arg6[%get3A_28, %get3A_29] : memref<1x10112xi32, #tpu.memory_space<vmem>>, vector<1x10112xi32>
    %broadcast_in_dim3A = vector.shape_cast %get3A_30 : vector<1x10112xi32> to vector<1x10112xi32>
    %broadcast_in_dim3A_31 = vector.broadcast %broadcast_in_dim3A : vector<1x10112xi32> to vector<64x10112xi32>
    %eq3A = arith.cmpi eq, %iota3A, %broadcast_in_dim3A_31 : vector<64x10112xi32>
    %convert_element_type3A = arith.extui %eq3A : vector<64x10112xi1> to vector<64x10112xi32>
    %convert_element_type3A_32 = arith.sitofp %convert_element_type3A : vector<64x10112xi32> to vector<64x10112xf32>
    %dot_general3A = arith.constant dense<0.000000e+00> : vector<64x32xf32>
    %dot_general3A_33 = tpu.matmul %convert_element_type3A_32, %add3A_27, %dot_general3A {dimension_numbers = #tpu.dot_dimension_numbers<[1], [0], [0], [1], [0, 0, 1, 1], [], []>, transpose_lhs_hint = false} : vector<64x10112xf32>, vector<10112x32xf32>, vector<64x32xf32> -> vector<64x32xf32>
    %reduce_sum3A = arith.constant dense<0.000000e+00> : vector<64xf32>
    %reduce_sum3A_34 = vector.multi_reduction <add>, %convert_element_type3A_32, %reduce_sum3A [1] : vector<64x10112xf32> to vector<64xf32>
    %broadcast_in_dim3A_35 = vector.shape_cast %reduce_sum3A_34 : vector<64xf32> to vector<64x1xf32>
    %max3A = arith.constant 1.000000e+00 : f32
    %max3A_36 = vector.broadcast %max3A : f32 to vector<64x1xf32>
    %max3A_37 = arith.maximumf %broadcast_in_dim3A_35, %max3A_36 : vector<64x1xf32>
    %div3A = vector.broadcast %max3A_37 : vector<64x1xf32> to vector<64x32xf32>
    %div3A_38 = arith.divf %dot_general3A_33, %div3A : vector<64x32xf32>
    %get3A_39 = arith.constant 0 : index
    %get3A_40 = arith.constant 0 : index
    %get3A_41 = vector.load %arg7[%get3A_39, %get3A_40] : memref<32x32xf32, #tpu.memory_space<vmem>>, vector<32x32xf32>
    %dot_general3A_42 = arith.constant dense<0.000000e+00> : vector<64x32xf32>
    %dot_general3A_43 = tpu.matmul %div3A_38, %get3A_41, %dot_general3A_42 {dimension_numbers = #tpu.dot_dimension_numbers<[1], [0], [0], [1], [0, 0, 1, 1], [], []>, transpose_lhs_hint = false} : vector<64x32xf32>, vector<32x32xf32>, vector<64x32xf32> -> vector<64x32xf32>
    %get3A_44 = arith.constant 0 : index
    %get3A_45 = arith.constant 0 : index
    %get3A_46 = vector.load %arg8[%get3A_44, %get3A_45] : memref<1x32xf32, #tpu.memory_space<vmem>>, vector<1x32xf32>
    %add3A_47 = vector.broadcast %get3A_46 : vector<1x32xf32> to vector<64x32xf32>
    %add3A_48 = arith.addf %dot_general3A_43, %add3A_47 : vector<64x32xf32>
    %max3A_49 = arith.constant 0.000000e+00 : f32
    %max3A_50 = vector.broadcast %max3A_49 : f32 to vector<64x32xf32>
    %max3A_51 = arith.maximumf %add3A_48, %max3A_50 : vector<64x32xf32>
    %get3A_52 = arith.constant 0 : index
    %get3A_53 = arith.constant 0 : index
    %get3A_54 = vector.load %arg9[%get3A_52, %get3A_53] : memref<32x1xf32, #tpu.memory_space<vmem>>, vector<32x1xf32>
    %dot_general3A_55 = arith.constant dense<0.000000e+00> : vector<64x1xf32>
    %dot_general3A_56 = tpu.matmul %max3A_51, %get3A_54, %dot_general3A_55 {dimension_numbers = #tpu.dot_dimension_numbers<[1], [0], [0], [1], [0, 0, 1, 1], [], []>, transpose_lhs_hint = false} : vector<64x32xf32>, vector<32x1xf32>, vector<64x1xf32> -> vector<64x1xf32>
    %get3A_57 = arith.constant 0 : index
    %get3A_58 = arith.constant 0 : index
    %get3A_59 = vector.load %arg10[%get3A_57, %get3A_58] : memref<1x1xf32, #tpu.memory_space<vmem>>, vector<1x1xf32>
    %add3A_60 = vector.broadcast %get3A_59 : vector<1x1xf32> to vector<64x1xf32>
    %add3A_61 = arith.addf %dot_general3A_56, %add3A_60 : vector<64x1xf32>
    %neg3A = arith.constant 0.000000e+00 : f32
    %neg3A_62 = vector.broadcast %neg3A : f32 to vector<64x1xf32>
    %neg3A_63 = arith.subf %neg3A_62, %add3A_61 : vector<64x1xf32>
    %exp3A = math.exp %neg3A_63 : vector<64x1xf32>
    %add3A_64 = arith.constant 1.000000e+00 : f32
    %add3A_65 = vector.broadcast %add3A_64 : f32 to vector<64x1xf32>
    %add3A_66 = arith.addf %add3A_65, %exp3A : vector<64x1xf32>
    %div3A_67 = arith.constant 1.000000e+00 : f32
    %div3A_68 = vector.broadcast %div3A_67 : f32 to vector<64x1xf32>
    %div3A_69 = arith.divf %div3A_68, %add3A_66 : vector<64x1xf32>
    %swap3A = arith.constant 0 : index
    %swap3A_70 = arith.constant 0 : index
    %swap3A_71 = vector.load %arg11[%swap3A, %swap3A_70] : memref<64x1xf32, #tpu.memory_space<vmem>>, vector<64x1xf32>
    tpu.vector_store %arg11[%swap3A, %swap3A_70], %div3A_69 {strides = array<i32>} : memref<64x1xf32, #tpu.memory_space<vmem>>, vector<64x1xf32>,
    return
  }
}

</mosaic_0001>

<sc_bundles>
// kernel: kernel.11.cloned.1.call-start
scs
__scs_entry_jumppad:
0x0: {  	(pc) =	sbr.rel $0x88, $3  }
0x1: {  	(tag) =	ssettag $0x0;
	lr =	simm.s32 $0x1  }
0x2: {  	[smem:$0x3F96] =	sst lr;
	_ =	strace $0xD0000000  }
0x3: {  	_ = 	snop  }
0x4: {  	_ = 	snop  }
0x5: {  	_ = 	snop  }
0x6: {  	_ = 	snop  }
0x7: {  	_ = 	snop  }
__scs_overlays_trampoline_lowered:
0x8: {  	[smem:$0x3FA5] =	sst s0  }
0x9: {  	[smem:$0x3FA6] =	sst s1  }
0xa: {  	[smem:$0x3FA7] =	sst s2  }
0xb: {  	[smem:$0x3FA8] =	sst s3  }
0xc: {  	[smem:$0x3FA9] =	sst s4  }
0xd: {  	[smem:$0x3FAA] =	sst s5  }
0xe: {  	[smem:$0x3FAB] =	sst s6  }
0xf: {  	[smem:$0x3FAC] =	sst s7  }
0x10: {  	[smem:$0x3FAD] =	sst s8  }
0x11: {  	[smem:$0x3FAE] =	sst s9;
	s0 =	simm.s32 @!p0 $0x0  }
0x12: {  	s1 =	sld [smem:$0x3F94];
	s0 =	simm.s32 @p0 $0x1  }
0x13: {  	[smem:$0x3FAF] =	sst s0;
	s0 =	simm.s32 @!p1 $0x0  }
0x14: {  	s2 =	sld [smem:$0x3F93];
	s0 =	simm.s32 @p1 $0x1  }
0x15: {  	[smem:$0x3FB0] =	sst s0;
	s0 =	simm.s32 @!p2 $0x0  }
0x16: {  	s3 =	sld [smem:$0x3FDB];
	s0 =	simm.s32 @p2 $0x1  }
0x17: {  	s4 =	simm.s32 $0x1BF5;
	[smem:$0x3FB2] =	sst s0  }
0x18: {  	s0 =	sld [smem:$0x3F95];
	_ =	swait.ge [sflag:s4], $0x0  }
0x19: {  	s7 =	sld [smem:$0x3F96]  }
0x1a: {  	s8 =	sadd.s32 $0xFFFFE003, lr  }
0x1b: {  	s9 =	sadd.s32 $0xFFFFFEF7, lr;
	s5 =	simm.s32 $0xFFFFFFFF;
	p2 =	slt.u32 s8, $0xFFFFF086  }
0x1c: {  	p1 =	slt.u32 s9, $0xF7A;
	s5 =	simm.s32 @!p2 $0x0  }
0x1d: {  	s5 =	simm.s32 @p1 $0x1;
	p0 =	seq.s32 s7, s2  }
0x1e: {  	s7 =	smul.u32 @!p0 $0xF7A, s2;
	p2 =	seq.s32 @!p0 s5, $0x0  }
0x1f: {  	s9 =	smul.u32 $0xF7A, s1;
	s8 =	simm.s32 @!p0 $0x1BF5;
	p2 =	por !p2, p0  }
0x20: {  	[sflag:s8] =	ssyncset.s32 @!p0 $0xFFFFF086;
	s6 =	sadd.s32 @!p0 s3, s7;
	s7 =	simm.s32 @!p0 $0x108  }
0x21: {  	s3 =	sadd.s32 s3, s9;
	s6 =	sadd.s32 @!p0 $0x88, s6;
	s7 =	simm.s32 @p2 $0x1082  }
0x22: {  	[simem:s7], [sflag:s8] =	dma.local @!p0 [hbm:s6], $0xF7A  }
0x23: {  	s9 =	sor.u32 $0xD0000000, s2;
	s6 =	simm.s32 $0x108;
	_ =	swait.ge @!p0 [sflag:s8], $0x0  }
0x24: {  	s3 =	sadd.s32 $0x88, s3;
	s6 =	simm.s32 @!p1 $0x1082;
	[sflag:s4] =	ssyncset.s32 $0xFFFFF086  }
0x25: {  	[simem:s6], [sflag:s4] =	dma.local [hbm:s3], $0xF7A  }
0x26: {  	[smem:$0x3F96] =	sst s1;
	(tag) =	ssettag s2;
	_ =	strace s9  }
0x27: {  	s1 =	sld [smem:$0x3FA6]  }
0x28: {  	s2 =	sld [smem:$0x3FA7]  }
0x29: {  	s4 =	sld [smem:$0x3FA9]  }
0x2a: {  	p0 =	seq.s32 s5, $0x0;
	s5 =	sld [smem:$0x3FAA]  }
0x2b: {  	s6 =	sld [smem:$0x3FAB]  }
0x2c: {  	s7 =	sld [smem:$0x3FAC]  }
0x2d: {  	s3 =	simm.s32 $0x108;
	s8 =	sld [smem:$0x3FAD]  }
0x2e: {  	s3 =	simm.s32 @!p0 $0x1082;
	s9 =	sld [smem:$0x3FAE]  }
0x2f: {  	lr =	sadd.s32 s0, s3;
	s0 =	sld [smem:$0x3FA5]  }
0x30: {  	s3 =	sld [smem:$0x3FA8]  }
0x31: {  	[smem:$0x3FB1] =	sst s10  }
0x32: {  	s10 =	sld [smem:$0x3FAF];
	_ =	sdelay $0x3  }
0x33: {  	p0 =	seq.s32 s10, $0x1;
	s10 =	sld [smem:$0x3FB1];
	_ =	sdelay $0x3  }
0x34: {  	[smem:$0x3FB1] =	sst s10  }
0x35: {  	s10 =	sld [smem:$0x3FB0];
	_ =	sdelay $0x3  }
0x36: {  	p1 =	seq.s32 s10, $0x1;
	s10 =	sld [smem:$0x3FB1];
	_ =	sdelay $0x3  }
0x37: {  	[smem:$0x3FB1] =	sst s10  }
0x38: {  	s10 =	sld [smem:$0x3FB2]  }
0x39: {  	_ = 	snop;
	(pc) =	sbr.ind lr, $3  }
0x3a: {  	_ = 	snop  }
0x3b: {  	_ = 	snop  }
0x3c: {  	p2 =	seq.s32 s10, $0x1;
	s10 =	sld [smem:$0x3FB1]  }
0x3d: {  	_ =	shalt  }
0x3e: {  	_ =	shalt  }
0x3f: {  	_ =	shalt  }
0x40: {  	_ =	shalt  }
0x41: {  	_ =	shalt  }
0x42: {  	_ =	shalt  }
0x43: {  	_ =	shalt  }
0x44: {  	_ =	shalt  }
0x45: {  	_ =	shalt  }
0x46: {  	_ =	shalt  }
0x47: {  	_ =	shalt  }
0x48: {  	_ =	shalt  }
0x49: {  	_ =	shalt  }
0x4a: {  	_ =	shalt  }
0x4b: {  	_ =	shalt  }
0x4c: {  	_ =	shalt  }
0x4d: {  	_ =	shalt  }
0x4e: {  	_ =	shalt  }
0x4f: {  	_ =	shalt  }
0x50: {  	_ =	shalt  }
0x51: {  	_ =	shalt  }
0x52: {  	_ =	shalt  }
0x53: {  	_ =	shalt  }
0x54: {  	_ =	shalt  }
0x55: {  	_ =	shalt  }
0x56: {  	_ =	shalt  }
0x57: {  	_ =	shalt  }
0x58: {  	_ =	shalt  }
0x59: {  	_ =	shalt  }
0x5a: {  	_ =	shalt  }
0x5b: {  	_ =	shalt  }
0x5c: {  	_ =	shalt  }
0x5d: {  	_ =	shalt  }
0x5e: {  	_ =	shalt  }
0x5f: {  	_ =	shalt  }
0x60: {  	_ =	shalt  }
0x61: {  	_ =	shalt  }
0x62: {  	_ =	shalt  }
0x63: {  	_ =	shalt  }
0x64: {  	_ =	shalt  }
0x65: {  	_ =	shalt  }
0x66: {  	_ =	shalt  }
0x67: {  	_ =	shalt  }
0x68: {  	_ =	shalt  }
0x69: {  	_ =	shalt  }
0x6a: {  	_ =	shalt  }
0x6b: {  	_ =	shalt  }
0x6c: {  	_ =	shalt  }
0x6d: {  	_ =	shalt  }
0x6e: {  	_ =	shalt  }
0x6f: {  	_ =	shalt  }
0x70: {  	_ =	shalt  }
0x71: {  	_ =	shalt  }
0x72: {  	_ =	shalt  }
0x73: {  	_ =	shalt  }
0x74: {  	_ =	shalt  }
0x75: {  	_ =	shalt  }
0x76: {  	_ =	shalt  }
0x77: {  	_ =	shalt  }
0x78: {  	_ =	shalt  }
0x79: {  	_ =	shalt  }
0x7a: {  	_ =	shalt  }
0x7b: {  	_ =	shalt  }
0x7c: {  	_ =	shalt  }
0x7d: {  	_ =	shalt  }
0x7e: {  	_ =	shalt  }
0x7f: {  	_ =	shalt  }
0x80: {  	_ =	shalt  }
0x81: {  	_ =	shalt  }
0x82: {  	_ =	shalt  }
0x83: {  	_ =	shalt  }
0x84: {  	_ =	shalt  }
0x85: {  	_ =	shalt  }
0x86: {  	_ =	shalt  }
0x87: {  	_ =	shalt  }
.Lfunc_end0:
.L_simem_size_0:
called_computation.1_lowered:
.L_overlay_start_0:
0x88: {  	s2 =	sld [smem:$0x3FD9]  }
0x89: {  	s3 =	sld [smem:$0x3FFE];
	_ =	sdelay $0x1  }
0x8a: {  	s1 =	srdreg.scid  }
0x8b: {  	s0 =	sand.u32 $0x1, s1  }
0x8c: {  	s16 =	sshll.u32 s0, $0xA;
	s2 =	sadd.s32 s3, s2  }
0x8d: {  	s2 =	sadd.s32 s2, s16  }
0x8e: {  	[smem:$0x3FBD] =	sst s2  }
0x8f: {  	_ = 	snop  }
0x90: {  	(tm) =	ssettm $0x1  }
0x91: {  	s17 =	sld [smem:$0x3FFB];
	_ =	sdelay $0x3  }
0x92: {  	_ =	strace s17  }
0x93: {  	s2 =	sld [smem:$0x3FFC];
	_ =	sdelay $0x3  }
0x94: {  	_ =	strace s2  }
0x95: {  	s2 =	sld [smem:$0x3FFD];
	_ =	sdelay $0x3  }
0x96: {  	_ =	strace s2  }
0x97: {  	_ =	strace $0x8FFFFFFF  }
0x98: {  	s18 =	sld [smem:$0x3FDB];
	_ =	sdelay $0x1  }
0x99: {  	s19 =	simm.s32 $_scs_section_size  }
0x9a: {  	s4 =	simm.s32 $_size__tile_overlayer_lowered;
	s5 =	simm.s32 $_tile_overlayer_lowered  }
0x9b: {  	s22 =	simm.s32 $0x1BFF;
	s21 =	sshll.u32 s5, $0x1;
	s2 =	sadd.s32 s19, s18  }
0x9c: {  	s6 =	simm.s32 $0x0;
	s20 =	sshll.u32 s4, $0x1;
	s4 =	sadd.s32 s21, s2  }
0x9d: {  	[timem:s6], [sflag:s22] =	dma.local [hbm:s4], s20  }
0x9e: {  	_ =	swait.ge [sflag:s22], s20  }
0x9f: {  	s3 =	ssub.s32 $0x0, s20;
	[sflag:s22] =	ssyncset.done $0x0  }
0xa0: {  	[sflag:s22] =	ssyncadd.s32 s3;
	_ =	sdelay $0x1  }
0xa1: {  	s23 =	simm.s32 $0x1B8B  }
0xa2: {  	_ =	swait.ge [sflag:s23], $0x1  }
0xa3: {  	[sflag:s23] =	ssyncset.done $0x0  }
0xa4: {  	s25 =	simm.s32 $0x1B8E;
	s24 =	sld [smem:$0x3FFE];
	[sflag:s23] =	ssyncadd.s32 $0xFFFFFFFF  }
0xa5: {  	s26 =	simm.s32 $execute0_lowered;
	[smem:$0x3FD2] =	sst s25  }
0xa6: {  	s4 =	sshll.u32 s26, $0x1;
	_ =	strace $0x80000049;
	[dreg:$0x1] =	wrdreg $0xFFFFFFFF  }
0xa7: {  	s28 =	simm.s32 $_size_execute0_lowered;
	s2 =	sadd.s32 s2, s4;
	[dreg:$0x0] =	wrdreg $0x0  }
0xa8: {  	s4 =	sshll.u32 s28, $0x1;
	[dreg:$0x2] =	wrdreg s2  }
0xa9: {  	[dreg:$0x3] =	wrdreg s4  }
0xaa: {  	[dreg:$0x4] =	wrdreg $0xC0  }
0xab: {  	_ =	task [dreg:s6], $0x5FFFF  }
0xac: {  	[dreg:$0x1] =	wrdreg $0xFFFFFFFF  }
0xad: {  	[dreg:$0x0] =	wrdreg $0x60  }
0xae: {  	[dreg:$0x2] =	wrdreg s24  }
0xaf: {  	[dreg:$0x3] =	wrdreg $0x90000  }
0xb0: {  	[dreg:$0x4] =	wrdreg $0x9  }
0xb1: {  	_ =	task.clear_ibuf [dreg:s6], $0x5FFFF;
	_ =	strace $0x90000049  }
0xb2: {  	s29 =	simm.s32 $0x9;
	_ =	strace $0x8000004B  }
0xb3: {  	_ =	swait.ge [sflag:s29], $0x1  }
0xb4: {  	[sflag:s29] =	ssyncadd.s32 $0xFFFFFFFF  }
0xb5: {  	_ =	strace $0x9000004B  }
0xb6: {  	_ =	sfence  }
0xb7: {  	s30 =	sld [smem:$0x0];
	_ =	sdelay $0x2  }
0xb8: {  	s31 =	sshll.u32 s1, $0xD;
	s1 =	sshrl.u32 s1, $0x2  }
0xb9: {  	s3 =	sand.u32 $0x4000, s31;
	s1 =	sadd.s32 s1, s30  }
0xba: {  	s0 =	sor.u32 s3, s0;
	s1 =	sshll.u32 s1, $0x11  }
0xbb: {  	s0 =	sor.u32 s1, s0  }
0xbc: {  	s0 =	sadd.s32 $0x8F2B, s0  }
0xbd: {  	[sflag:s0] =	ssyncadd.remote.s32 $0x1  }
0xbe: {  	_ =	sfence.sel $0xFFFF  }
0xbf: {  	[dreg:$0x0] =	wrdreg $0xFFFFFFFF;
	(pc) =	sbr.abs _section_cstart, $3  }
0xc0: {  	[dreg:$0x1] =	wrdreg $0xFFFFFFFF  }
0xc1: {  	_ =	task.clear_ibuf [dreg:s6], $0x2FFFF;
	_ =	strace $0x9FFFFFFF  }
0xc2: {  	(tm) =	ssettm $0x7FFFFFFF  }
0xc3: {  	_ =	shalt  }
tec
execute0_lowered:
.L_overlay_start_1:
0x0: {  	(tag) =	ssettag $0x1  }
0x1: {  	s0 =	srdreg.scid;
	s1 =	rddreg [dreg:$0x0]  }
0x2: {  	s10 =	stileid.u32;
	s2 =	rddreg [dreg:$0x1]  }
0x3: {  	s12 =	simm.s32 $0x9;
	s14 =	simm.s32 $0x80;
	s15 =	simm.s32 $0x5000  }
0x4: {  	s16 =	simm.s32 $0x6000;
	s18 =	simm.s32 $0x7000;
	s20 =	simm.s32 $0x8000  }
0x5: {  	s21 =	simm.s32 $0x1;
	s22 =	simm.s32 $0x2;
	s23 =	simm.s32 $0x3  }
0x6: {  	s24 =	simm.s32 $0x4;
	s25 =	simm.s32 $0x5;
	s28 =	simm.s32 $0x7  }
0x7: {  	s29 =	simm.s32 $0x8;
	s31 =	simm.s32 $0x4E80;
	s13 =	simm.s32 $0x0  }
0x8: {  	s0 =	sand.u32 $0x1, s0;
	s6 =	smul.u32 $0x4F00, s10;
	s30 =	sshll.u32 s10, $0x6  }
0x9: {  	s3 =	sshll.u32 s0, $0x4;
	s7 =	ssub.s32 $0x2, s0;
	p0 =	seq.s32 s0, $0x1  }
0xa: {  	s0 =	simm.s32 $0xA9800;
	s4 =	sor.u32 s10, s3;
	s3 =	simm.s32 $0x0  }
0xb: {  	s26 =	sshrl.u32 s6, $0x3;
	s9 =	sshrl.u32 s7, $0x1;
	s11 =	sadd.s32 s6, s2  }
0xc: {  	s6 =	sor.u32 $0x1C09, s30;
	s0 =	simm.s32 @!p0 $0xB3600;
	s5 =	smul.u32 $0x500, s4  }
0xd: {  	[smem:$0x7FF] =	sst s3;
	s4 =	sadd.s32 $0x95C00, s1;
	s9 =	ssub.s32 s7, s9  }
0xe: {  	s11 =	sshrl.u32 s11, $0x3;
	_ =	strace $0x8000004A;
	s9 =	smax.u32 s9, $0x1  }
0xf: {  	s8 =	sadd.s32 s5, s1;
	s1 =	sadd.s32 s26, s1;
	s26 =	simm.s32 $0x6  }
0x10: {  	s5 =	sadd.s32 $0x9FA00, s1;
	s7 =	sadd.s32 $0x3A00, s8;
	s8 =	sadd.s32 $0xDA00, s8  }
0x11: {  	s10 =	sadd.s32 s0, s1;
	s1 =	simm.s32 $0x4F00;
	s0 =	simm.s32 $0x4F80  }
.LBB2_1:
0x12: {  	[spmem:s11], [sflag:s6] =	dma.local [hbm:s5], $0x9E0  }
0x13: {  	_ =	swait.ge [sflag:s12], $0x9E0  }
0x14: {  	[sflag:s12] =	ssyncset.done $0x0  }
0x15: {  	[sflag:s12] =	ssyncadd.s32 $0xFFFFF620  }
0x16: {  	[tilespmem:s3], [sflag:$0x9] =	stream.linear.gather [hbm4b:s7+s3], $0x2800, $0x38;
	[tilespmem:$0xDF00] =	vst v63  }
0x17: {  	_ =	swait.ge [sflag:s12], $0x2800  }
0x18: {  	[sflag:s12] =	ssyncset.done $0x0  }
0x19: {  	s17 =	simm.s32 $0x2800;
	[sflag:s12] =	ssyncadd.s32 $0xFFFFD800  }
0x1a: {  	[tilespmem:s17], [sflag:$0x9] =	stream.linear.gather [hbm4b:s8+s3], $0x2800, $0x38;
	[tilespmem:$0xDF00] =	vst v63  }
0x1b: {  	_ =	swait.ge [sflag:s12], $0x2800  }
0x1c: {  	[sflag:s12] =	ssyncset.done $0x0  }
0x1d: {  	[sflag:s12] =	ssyncadd.s32 $0xFFFFD800  }
0x1e: {  	[bflag:$0x0] =	sbarrier.arrive $0xFFFF  }
0x1f: {  	[tilespmem:s15], [sflag:$0x1] =	stream.indirect.gather [hbm4b:s4+s14], $0x20, s3, s14, $0xb8;
	[tilespmem:$0xDF00] =	vst v63  }
0x20: {  	_ = 	snop  }
0x21: {  	[tilespmem:s16], [sflag:$0x2] =	stream.indirect.gather [hbm4b:s4+s14], $0x20, s14, s14, $0xb8;
	[tilespmem:$0xDF00] =	vst v63  }
0x22: {  	s30 =	simm.s32 $0x100  }
0x23: {  	[tilespmem:s18], [sflag:$0x3] =	stream.indirect.gather [hbm4b:s4+s14], $0x20, s30, s14, $0xb8;
	[tilespmem:$0xDF00] =	vst v63  }
0x24: {  	s19 =	simm.s32 $0x180  }
0x25: {  	[tilespmem:s20], [sflag:$0x4] =	stream.indirect.gather [hbm4b:s4+s14], $0x20, s19, s14, $0xb8;
	[tilespmem:$0xDF00] =	vst v63  }
0x26: {  	_ =	swait.ge [sflag:s21], $0x1000  }
0x27: {  	[sflag:s21] =	ssyncset.done $0x0  }
0x28: {  	s30 =	simm.s32 $0x2800;
	[sflag:s21] =	ssyncadd.s32 $0xFFFFF000  }
0x29: {  	[spmem:s2] =	stream.indirect.scatter.add.f32 [tilespmem:s15], [sflag:$0x5], $0x20, s30, s14, $0xb8;
	[tilespmem:$0xDF00] =	vst v63  }
0x2a: {  	_ =	swait.ge [sflag:s22], $0x1000  }
0x2b: {  	[sflag:s22] =	ssyncset.done $0x0  }
0x2c: {  	s19 =	simm.s32 $0x2880;
	[sflag:s22] =	ssyncadd.s32 $0xFFFFF000  }
0x2d: {  	[spmem:s2] =	stream.indirect.scatter.add.f32 [tilespmem:s16], [sflag:$0x6], $0x20, s19, s14, $0xb8;
	[tilespmem:$0xDF00] =	vst v63  }
0x2e: {  	_ =	swait.ge [sflag:s23], $0x1000  }
0x2f: {  	[sflag:s23] =	ssyncset.done $0x0  }
0x30: {  	s30 =	simm.s32 $0x2900;
	[sflag:s23] =	ssyncadd.s32 $0xFFFFF000  }
0x31: {  	[spmem:s2] =	stream.indirect.scatter.add.f32 [tilespmem:s18], [sflag:$0x7], $0x20, s30, s14, $0xb8;
	[tilespmem:$0xDF00] =	vst v63  }
0x32: {  	_ =	swait.ge [sflag:s24], $0x1000  }
0x33: {  	[sflag:s24] =	ssyncset.done $0x0  }
0x34: {  	s19 =	simm.s32 $0x2980;
	[sflag:s24] =	ssyncadd.s32 $0xFFFFF000  }
0x35: {  	[spmem:s2] =	stream.indirect.scatter.add.f32 [tilespmem:s20], [sflag:$0x8], $0x20, s19, s14, $0xb8;
	[tilespmem:$0xDF00] =	vst v63  }
0x36: {  	_ =	swait.ge [sflag:s25], $0x1000  }
0x37: {  	[sflag:s25] =	ssyncset.done $0x0  }
0x38: {  	s30 =	simm.s32 $0x200;
	[sflag:s25] =	ssyncadd.s32 $0xFFFFF000  }
0x39: {  	[tilespmem:s15], [sflag:$0x1] =	stream.indirect.gather [hbm4b:s4+s14], $0x20, s30, s14, $0xb8;
	[tilespmem:$0xDF00] =	vst v63  }
0x3a: {  	_ =	swait.ge [sflag:s26], $0x1000  }
0x3b: {  	[sflag:s26] =	ssyncset.done $0x0  }
0x3c: {  	s19 =	simm.s32 $0x280;
	[sflag:s26] =	ssyncadd.s32 $0xFFFFF000  }
0x3d: {  	[tilespmem:s16], [sflag:$0x2] =	stream.indirect.gather [hbm4b:s4+s14], $0x20, s19, s14, $0xb8;
	[tilespmem:$0xDF00] =	vst v63  }
0x3e: {  	_ =	swait.ge [sflag:s28], $0x1000  }
0x3f: {  	[sflag:s28] =	ssyncset.done $0x0  }
0x40: {  	s30 =	simm.s32 $0x300;
	[sflag:s28] =	ssyncadd.s32 $0xFFFFF000  }
0x41: {  	[tilespmem:s18], [sflag:$0x3] =	stream.indirect.gather [hbm4b:s4+s14], $0x20, s30, s14, $0xb8;
	[tilespmem:$0xDF00] =	vst v63  }
0x42: {  	_ =	swait.ge [sflag:s29], $0x1000  }
0x43: {  	[sflag:s29] =	ssyncset.done $0x0  }
0x44: {  	s17 =	simm.s32 $0x800;
	s19 =	simm.s32 $0x380;
	[sflag:s29] =	ssyncadd.s32 $0xFFFFF000  }
.LBB2_2:
0x45: {  	[tilespmem:s20], [sflag:$0x4] =	stream.indirect.gather [hbm4b:s4+s14], $0x20, s19, s14, $0xb8;
	[tilespmem:$0xDF00] =	vst v63  }
0x46: {  	s19 =	smov.u32 s17  }
0x47: {  	p0 =	sne.s32 s17, $0x9000;
	s17 =	sadd.s32 $0x800, s17;
	_ =	swait.ge [sflag:s21], $0x1000  }
0x48: {  	s19 =	sshra.s32 s19, $0x2;
	[sflag:s21] =	ssyncset.done $0x0  }
0x49: {  	s30 =	sadd.s32 $0x2800, s19;
	[sflag:s21] =	ssyncadd.s32 $0xFFFFF000  }
0x4a: {  	[spmem:s2] =	stream.indirect.scatter.add.f32 [tilespmem:s15], [sflag:$0x5], $0x20, s30, s14, $0xb8;
	[tilespmem:$0xDF00] =	vst v63  }
0x4b: {  	_ =	swait.ge [sflag:s22], $0x1000  }
0x4c: {  	[sflag:s22] =	ssyncset.done $0x0  }
0x4d: {  	s30 =	sadd.s32 $0x2880, s19;
	[sflag:s22] =	ssyncadd.s32 $0xFFFFF000  }
0x4e: {  	[spmem:s2] =	stream.indirect.scatter.add.f32 [tilespmem:s16], [sflag:$0x6], $0x20, s30, s14, $0xb8;
	[tilespmem:$0xDF00] =	vst v63  }
0x4f: {  	_ =	swait.ge [sflag:s23], $0x1000  }
0x50: {  	[sflag:s23] =	ssyncset.done $0x0  }
0x51: {  	s30 =	sadd.s32 $0x2900, s19;
	[sflag:s23] =	ssyncadd.s32 $0xFFFFF000  }
0x52: {  	[spmem:s2] =	stream.indirect.scatter.add.f32 [tilespmem:s18], [sflag:$0x7], $0x20, s30, s14, $0xb8;
	[tilespmem:$0xDF00] =	vst v63  }
0x53: {  	_ =	swait.ge [sflag:s24], $0x1000  }
0x54: {  	[sflag:s24] =	ssyncset.done $0x0  }
0x55: {  	s30 =	sadd.s32 $0x2980, s19;
	[sflag:s24] =	ssyncadd.s32 $0xFFFFF000  }
0x56: {  	[spmem:s2] =	stream.indirect.scatter.add.f32 [tilespmem:s20], [sflag:$0x8], $0x20, s30, s14, $0xb8;
	[tilespmem:$0xDF00] =	vst v63  }
0x57: {  	_ =	swait.ge [sflag:s25], $0x1000  }
0x58: {  	[sflag:s25] =	ssyncset.done $0x0  }
0x59: {  	s30 =	sadd.s32 $0x200, s19;
	[sflag:s25] =	ssyncadd.s32 $0xFFFFF000  }
0x5a: {  	[tilespmem:s15], [sflag:$0x1] =	stream.indirect.gather [hbm4b:s4+s14], $0x20, s30, s14, $0xb8;
	[tilespmem:$0xDF00] =	vst v63  }
0x5b: {  	_ =	swait.ge [sflag:s26], $0x1000  }
0x5c: {  	[sflag:s26] =	ssyncset.done $0x0  }
0x5d: {  	s30 =	sadd.s32 $0x280, s19;
	[sflag:s26] =	ssyncadd.s32 $0xFFFFF000  }
0x5e: {  	[tilespmem:s16], [sflag:$0x2] =	stream.indirect.gather [hbm4b:s4+s14], $0x20, s30, s14, $0xb8;
	[tilespmem:$0xDF00] =	vst v63  }
0x5f: {  	_ =	swait.ge [sflag:s28], $0x1000  }
0x60: {  	[sflag:s28] =	ssyncset.done $0x0  }
.Ltmp0:
0x61: {  	s30 =	sadd.s32 $0x300, s19;
	[sflag:s28] =	ssyncadd.s32 $0xFFFFF000;
	(pc) =	sbr.rel @p0 .LBB2_2-.Ltmp0, $4  }
0x62: {  	[tilespmem:s18], [sflag:$0x3] =	stream.indirect.gather [hbm4b:s4+s14], $0x20, s30, s14, $0xb8;
	[tilespmem:$0xDF00] =	vst v63  }
0x63: {  	_ =	swait.ge [sflag:s29], $0x1000  }
0x64: {  	[sflag:s29] =	ssyncset.done $0x0  }
0x65: {  	s19 =	sadd.s32 $0x380, s19;
	[sflag:s29] =	ssyncadd.s32 $0xFFFFF000  }
0x66: {  	[tilespmem:s20], [sflag:$0x4] =	stream.indirect.gather [hbm4b:s4+s14], $0x20, s19, s14, $0xb8;
	[tilespmem:$0xDF00] =	vst v63  }
0x67: {  	_ =	swait.ge [sflag:s21], $0x1000  }
0x68: {  	[sflag:s21] =	ssyncset.done $0x0  }
0x69: {  	s17 =	simm.s32 $0x4E00;
	[sflag:s21] =	ssyncadd.s32 $0xFFFFF000  }
0x6a: {  	[spmem:s2] =	stream.indirect.scatter.add.f32 [tilespmem:s15], [sflag:$0x5], $0x20, s17, s14, $0xb8;
	[tilespmem:$0xDF00] =	vst v63  }
0x6b: {  	_ =	swait.ge [sflag:s22], $0x1000  }
0x6c: {  	[sflag:s22] =	ssyncset.done $0x0  }
0x6d: {  	[sflag:s22] =	ssyncadd.s32 $0xFFFFF000  }
0x6e: {  	[spmem:s2] =	stream.indirect.scatter.add.f32 [tilespmem:s16], [sflag:$0x6], $0x20, s31, s14, $0xb8;
	[tilespmem:$0xDF00] =	vst v63  }
0x6f: {  	_ =	swait.ge [sflag:s23], $0x1000  }
0x70: {  	[sflag:s23] =	ssyncset.done $0x0  }
0x71: {  	[sflag:s23] =	ssyncadd.s32 $0xFFFFF000  }
0x72: {  	[spmem:s2] =	stream.indirect.scatter.add.f32 [tilespmem:s18], [sflag:$0x7], $0x20, s1, s14, $0xb8;
	[tilespmem:$0xDF00] =	vst v63  }
0x73: {  	_ =	swait.ge [sflag:s24], $0x1000  }
0x74: {  	[sflag:s24] =	ssyncset.done $0x0  }
0x75: {  	[sflag:s24] =	ssyncadd.s32 $0xFFFFF000  }
0x76: {  	[spmem:s2] =	stream.indirect.scatter.add.f32 [tilespmem:s20], [sflag:$0x8], $0x20, s0, s14, $0xb8;
	[tilespmem:$0xDF00] =	vst v63  }
0x77: {  	_ =	swait.ge [sflag:s25], $0x1000  }
0x78: {  	[sflag:s25] =	ssyncset.done $0x0  }
0x79: {  	[sflag:s25] =	ssyncadd.s32 $0xFFFFF000  }
0x7a: {  	_ =	swait.ge [sflag:s26], $0x1000  }
0x7b: {  	[sflag:s26] =	ssyncset.done $0x0  }
0x7c: {  	[sflag:s26] =	ssyncadd.s32 $0xFFFFF000  }
0x7d: {  	_ =	swait.ge [sflag:s28], $0x1000  }
0x7e: {  	[sflag:s28] =	ssyncset.done $0x0  }
0x7f: {  	[sflag:s28] =	ssyncadd.s32 $0xFFFFF000  }
0x80: {  	_ =	swait.ge [sflag:s29], $0x1000  }
0x81: {  	s13 =	sadd.s32 $0x1, s13;
	[sflag:s29] =	ssyncset.done $0x0  }
0x82: {  	p0 =	sne.s32 s13, s9;
	[sflag:s29] =	ssyncadd.s32 $0xFFFFF000  }
.Ltmp1:
0x83: {  	[bflag:$0x0] =	sbarrier.arrive $0xFFFF;
	(pc) =	sbr.rel @p0 .LBB2_1-.Ltmp1, $4  }
0x84: {  	[hbm:s10], [sflag:s6] =	dma.local [spmem:s11], $0x9E0  }
0x85: {  	_ =	swait.ge [sflag:s12], $0x9E0  }
0x86: {  	[sflag:s12] =	ssyncset.done $0x0  }
0x87: {  	[sflag:s12] =	ssyncadd.s32 $0xFFFFF620  }
0x88: {  	_ =	sfence.sel $0x180000  }
0x89: {  	[bflag:$0x0] =	sbarrier.arrive $0xFFFF  }
0x8a: {  	_ =	strace $0x9000004A  }
0x8b: {  	s0 =	stileid.u32;
	[bflag:$0x2] =	sbarrier.arrive $0xFFFF  }
0x8c: {  	p0 =	sne.s32 s0, $0x0;
	s0 =	rddreg [dreg:$0x2]  }
0x8d: {  	s0 =	sadd.s32 @!p0 $0x100000, s0  }
0x8e: {  	[sflag:s0] =	ssyncadd.tile.s32 @!p0 $0x1;
	_ =	shalt  }
.Lfunc_end2:
_tile_overlayer_lowered:
.L_overlay_start_2:
0x8f: {  	(tag) =	ssettag $0x2  }
0x90: {  	s0 =	rddreg [dreg:$0x0];
	s2 =	stileid.u32  }
0x91: {  	s1 =	rddreg [dreg:$0x1];
	p0 =	sne.s32 s2, $0x0  }
0x92: {  	s3 =	rddreg [dreg:$0x2];
	[bflag:$0x3] =	sbarrier.arrive $0xFFFF;
	s2 =	simm.s32 @!p0 $0x1C09  }
0x93: {  	[timem:s3], [sflag:s2] =	dma.local @!p0 [hbm:s0], s1  }
0x94: {  	s0 =	simm.s32 @!p0 $0x9  }
0x95: {  	_ =	swait.ge @!p0 [sflag:s0], s1  }
0x96: {  	s1 =	ssub.s32 @!p0 $0x0, s1;
	[sflag:s0] =	ssyncset.done @!p0 $0x0  }
0x97: {  	[sflag:s0] =	ssyncadd.s32 @!p0 s1  }
0x98: {  	[bflag:$0x3] =	sbarrier.arrive $0xFFFF  }
0x99: {  	_ =	shalt  }

// kernel: kernel.14.cloned.1.call-start
scs
__scs_entry_jumppad:
0x0: {  	(pc) =	sbr.rel $0x88, $3  }
0x1: {  	(tag) =	ssettag $0x0;
	lr =	simm.s32 $0x1  }
0x2: {  	[smem:$0x3F96] =	sst lr;
	_ =	strace $0xD0000000  }
0x3: {  	_ = 	snop  }
0x4: {  	_ = 	snop  }
0x5: {  	_ = 	snop  }
0x6: {  	_ = 	snop  }
0x7: {  	_ = 	snop  }
__scs_overlays_trampoline_lowered:
0x8: {  	[smem:$0x3FA5] =	sst s0  }
0x9: {  	[smem:$0x3FA6] =	sst s1  }
0xa: {  	[smem:$0x3FA7] =	sst s2  }
0xb: {  	[smem:$0x3FA8] =	sst s3  }
0xc: {  	[smem:$0x3FA9] =	sst s4  }
0xd: {  	[smem:$0x3FAA] =	sst s5  }
0xe: {  	[smem:$0x3FAB] =	sst s6  }
0xf: {  	[smem:$0x3FAC] =	sst s7  }
0x10: {  	[smem:$0x3FAD] =	sst s8  }
0x11: {  	[smem:$0x3FAE] =	sst s9;
	s0 =	simm.s32 @!p0 $0x0  }
0x12: {  	s1 =	sld [smem:$0x3F94];
	s0 =	simm.s32 @p0 $0x1  }
0x13: {  	[smem:$0x3FAF] =	sst s0;
	s0 =	simm.s32 @!p1 $0x0  }
0x14: {  	s2 =	sld [smem:$0x3F93];
	s0 =	simm.s32 @p1 $0x1  }
0x15: {  	[smem:$0x3FB0] =	sst s0;
	s0 =	simm.s32 @!p2 $0x0  }
0x16: {  	s3 =	sld [smem:$0x3FDB];
	s0 =	simm.s32 @p2 $0x1  }
0x17: {  	s4 =	simm.s32 $0x1BF5;
	[smem:$0x3FB2] =	sst s0  }
0x18: {  	s0 =	sld [smem:$0x3F95];
	_ =	swait.ge [sflag:s4], $0x0  }
0x19: {  	s7 =	sld [smem:$0x3F96]  }
0x1a: {  	s8 =	sadd.s32 $0xFFFFE003, lr  }
0x1b: {  	s9 =	sadd.s32 $0xFFFFFEF7, lr;
	s5 =	simm.s32 $0xFFFFFFFF;
	p2 =	slt.u32 s8, $0xFFFFF086  }
0x1c: {  	p1 =	slt.u32 s9, $0xF7A;
	s5 =	simm.s32 @!p2 $0x0  }
0x1d: {  	s5 =	simm.s32 @p1 $0x1;
	p0 =	seq.s32 s7, s2  }
0x1e: {  	s7 =	smul.u32 @!p0 $0xF7A, s2;
	p2 =	seq.s32 @!p0 s5, $0x0  }
0x1f: {  	s9 =	smul.u32 $0xF7A, s1;
	s8 =	simm.s32 @!p0 $0x1BF5;
	p2 =	por !p2, p0  }
0x20: {  	[sflag:s8] =	ssyncset.s32 @!p0 $0xFFFFF086;
	s6 =	sadd.s32 @!p0 s3, s7;
	s7 =	simm.s32 @!p0 $0x108  }
0x21: {  	s3 =	sadd.s32 s3, s9;
	s6 =	sadd.s32 @!p0 $0x88, s6;
	s7 =	simm.s32 @p2 $0x1082  }
0x22: {  	[simem:s7], [sflag:s8] =	dma.local @!p0 [hbm:s6], $0xF7A  }
0x23: {  	s9 =	sor.u32 $0xD0000000, s2;
	s6 =	simm.s32 $0x108;
	_ =	swait.ge @!p0 [sflag:s8], $0x0  }
0x24: {  	s3 =	sadd.s32 $0x88, s3;
	s6 =	simm.s32 @!p1 $0x1082;
	[sflag:s4] =	ssyncset.s32 $0xFFFFF086  }
0x25: {  	[simem:s6], [sflag:s4] =	dma.local [hbm:s3], $0xF7A  }
0x26: {  	[smem:$0x3F96] =	sst s1;
	(tag) =	ssettag s2;
	_ =	strace s9  }
0x27: {  	s1 =	sld [smem:$0x3FA6]  }
0x28: {  	s2 =	sld [smem:$0x3FA7]  }
0x29: {  	s4 =	sld [smem:$0x3FA9]  }
0x2a: {  	p0 =	seq.s32 s5, $0x0;
	s5 =	sld [smem:$0x3FAA]  }
0x2b: {  	s6 =	sld [smem:$0x3FAB]  }
0x2c: {  	s7 =	sld [smem:$0x3FAC]  }
0x2d: {  	s3 =	simm.s32 $0x108;
	s8 =	sld [smem:$0x3FAD]  }
0x2e: {  	s3 =	simm.s32 @!p0 $0x1082;
	s9 =	sld [smem:$0x3FAE]  }
0x2f: {  	lr =	sadd.s32 s0, s3;
	s0 =	sld [smem:$0x3FA5]  }
0x30: {  	s3 =	sld [smem:$0x3FA8]  }
0x31: {  	[smem:$0x3FB1] =	sst s10  }
0x32: {  	s10 =	sld [smem:$0x3FAF];
	_ =	sdelay $0x3  }
0x33: {  	p0 =	seq.s32 s10, $0x1;
	s10 =	sld [smem:$0x3FB1];
	_ =	sdelay $0x3  }
0x34: {  	[smem:$0x3FB1] =	sst s10  }
0x35: {  	s10 =	sld [smem:$0x3FB0];
	_ =	sdelay $0x3  }
0x36: {  	p1 =	seq.s32 s10, $0x1;
	s10 =	sld [smem:$0x3FB1];
	_ =	sdelay $0x3  }
0x37: {  	[smem:$0x3FB1] =	sst s10  }
0x38: {  	s10 =	sld [smem:$0x3FB2]  }
0x39: {  	_ = 	snop;
	(pc) =	sbr.ind lr, $3  }
0x3a: {  	_ = 	snop  }
0x3b: {  	_ = 	snop  }
0x3c: {  	p2 =	seq.s32 s10, $0x1;
	s10 =	sld [smem:$0x3FB1]  }
0x3d: {  	_ =	shalt  }
0x3e: {  	_ =	shalt  }
0x3f: {  	_ =	shalt  }
0x40: {  	_ =	shalt  }
0x41: {  	_ =	shalt  }
0x42: {  	_ =	shalt  }
0x43: {  	_ =	shalt  }
0x44: {  	_ =	shalt  }
0x45: {  	_ =	shalt  }
0x46: {  	_ =	shalt  }
0x47: {  	_ =	shalt  }
0x48: {  	_ =	shalt  }
0x49: {  	_ =	shalt  }
0x4a: {  	_ =	shalt  }
0x4b: {  	_ =	shalt  }
0x4c: {  	_ =	shalt  }
0x4d: {  	_ =	shalt  }
0x4e: {  	_ =	shalt  }
0x4f: {  	_ =	shalt  }
0x50: {  	_ =	shalt  }
0x51: {  	_ =	shalt  }
0x52: {  	_ =	shalt  }
0x53: {  	_ =	shalt  }
0x54: {  	_ =	shalt  }
0x55: {  	_ =	shalt  }
0x56: {  	_ =	shalt  }
0x57: {  	_ =	shalt  }
0x58: {  	_ =	shalt  }
0x59: {  	_ =	shalt  }
0x5a: {  	_ =	shalt  }
0x5b: {  	_ =	shalt  }
0x5c: {  	_ =	shalt  }
0x5d: {  	_ =	shalt  }
0x5e: {  	_ =	shalt  }
0x5f: {  	_ =	shalt  }
0x60: {  	_ =	shalt  }
0x61: {  	_ =	shalt  }
0x62: {  	_ =	shalt  }
0x63: {  	_ =	shalt  }
0x64: {  	_ =	shalt  }
0x65: {  	_ =	shalt  }
0x66: {  	_ =	shalt  }
0x67: {  	_ =	shalt  }
0x68: {  	_ =	shalt  }
0x69: {  	_ =	shalt  }
0x6a: {  	_ =	shalt  }
0x6b: {  	_ =	shalt  }
0x6c: {  	_ =	shalt  }
0x6d: {  	_ =	shalt  }
0x6e: {  	_ =	shalt  }
0x6f: {  	_ =	shalt  }
0x70: {  	_ =	shalt  }
0x71: {  	_ =	shalt  }
0x72: {  	_ =	shalt  }
0x73: {  	_ =	shalt  }
0x74: {  	_ =	shalt  }
0x75: {  	_ =	shalt  }
0x76: {  	_ =	shalt  }
0x77: {  	_ =	shalt  }
0x78: {  	_ =	shalt  }
0x79: {  	_ =	shalt  }
0x7a: {  	_ =	shalt  }
0x7b: {  	_ =	shalt  }
0x7c: {  	_ =	shalt  }
0x7d: {  	_ =	shalt  }
0x7e: {  	_ =	shalt  }
0x7f: {  	_ =	shalt  }
0x80: {  	_ =	shalt  }
0x81: {  	_ =	shalt  }
0x82: {  	_ =	shalt  }
0x83: {  	_ =	shalt  }
0x84: {  	_ =	shalt  }
0x85: {  	_ =	shalt  }
0x86: {  	_ =	shalt  }
0x87: {  	_ =	shalt  }
.Lfunc_end0:
.L_simem_size_0:
called_computation.2_lowered:
.L_overlay_start_0:
0x88: {  	s2 =	sld [smem:$0x3FD9]  }
0x89: {  	s3 =	sld [smem:$0x3FFE];
	_ =	sdelay $0x1  }
0x8a: {  	s1 =	srdreg.scid  }
0x8b: {  	s0 =	sand.u32 $0x1, s1  }
0x8c: {  	s16 =	sshll.u32 s0, $0xA;
	s2 =	sadd.s32 s3, s2  }
0x8d: {  	s2 =	sadd.s32 s2, s16  }
0x8e: {  	[smem:$0x3FBD] =	sst s2  }
0x8f: {  	_ = 	snop  }
0x90: {  	(tm) =	ssettm $0x1  }
0x91: {  	s17 =	sld [smem:$0x3FFB];
	_ =	sdelay $0x3  }
0x92: {  	_ =	strace s17  }
0x93: {  	s2 =	sld [smem:$0x3FFC];
	_ =	sdelay $0x3  }
0x94: {  	_ =	strace s2  }
0x95: {  	s2 =	sld [smem:$0x3FFD];
	_ =	sdelay $0x3  }
0x96: {  	_ =	strace s2  }
0x97: {  	_ =	strace $0x8FFFFFFF  }
0x98: {  	s18 =	sld [smem:$0x3FDB];
	_ =	sdelay $0x1  }
0x99: {  	s19 =	simm.s32 $_scs_section_size  }
0x9a: {  	s4 =	simm.s32 $_size__tile_overlayer_lowered;
	s5 =	simm.s32 $_tile_overlayer_lowered  }
0x9b: {  	s22 =	simm.s32 $0x1BFF;
	s21 =	sshll.u32 s5, $0x1;
	s2 =	sadd.s32 s19, s18  }
0x9c: {  	s6 =	simm.s32 $0x0;
	s20 =	sshll.u32 s4, $0x1;
	s4 =	sadd.s32 s21, s2  }
0x9d: {  	[timem:s6], [sflag:s22] =	dma.local [hbm:s4], s20  }
0x9e: {  	_ =	swait.ge [sflag:s22], s20  }
0x9f: {  	s3 =	ssub.s32 $0x0, s20;
	[sflag:s22] =	ssyncset.done $0x0  }
0xa0: {  	[sflag:s22] =	ssyncadd.s32 s3;
	_ =	sdelay $0x1  }
0xa1: {  	s23 =	simm.s32 $0x1B8B  }
0xa2: {  	_ =	swait.ge [sflag:s23], $0x1  }
0xa3: {  	[sflag:s23] =	ssyncset.done $0x0  }
0xa4: {  	s25 =	simm.s32 $0x1B8E;
	s24 =	sld [smem:$0x3FFE];
	[sflag:s23] =	ssyncadd.s32 $0xFFFFFFFF  }
0xa5: {  	s26 =	simm.s32 $execute0_lowered;
	[smem:$0x3FD2] =	sst s25  }
0xa6: {  	s4 =	sshll.u32 s26, $0x1;
	_ =	strace $0x8000004C;
	[dreg:$0x1] =	wrdreg $0xFFFFFFFF  }
0xa7: {  	s28 =	simm.s32 $_size_execute0_lowered;
	s2 =	sadd.s32 s2, s4;
	[dreg:$0x0] =	wrdreg $0x0  }
0xa8: {  	s4 =	sshll.u32 s28, $0x1;
	[dreg:$0x2] =	wrdreg s2  }
0xa9: {  	[dreg:$0x3] =	wrdreg s4  }
0xaa: {  	[dreg:$0x4] =	wrdreg $0xC0  }
0xab: {  	_ =	task [dreg:s6], $0x5FFFF  }
0xac: {  	[dreg:$0x1] =	wrdreg $0xFFFFFFFF  }
0xad: {  	[dreg:$0x0] =	wrdreg $0x60  }
0xae: {  	[dreg:$0x2] =	wrdreg s24  }
0xaf: {  	[dreg:$0x3] =	wrdreg $0x90000  }
0xb0: {  	[dreg:$0x4] =	wrdreg $0x9  }
0xb1: {  	_ =	task.clear_ibuf [dreg:s6], $0x5FFFF;
	_ =	strace $0x9000004C  }
0xb2: {  	s29 =	simm.s32 $0x9;
	_ =	strace $0x8000004E  }
0xb3: {  	_ =	swait.ge [sflag:s29], $0x1  }
0xb4: {  	[sflag:s29] =	ssyncadd.s32 $0xFFFFFFFF  }
0xb5: {  	_ =	strace $0x9000004E  }
0xb6: {  	_ =	sfence  }
0xb7: {  	s30 =	sld [smem:$0x0];
	_ =	sdelay $0x2  }
0xb8: {  	s31 =	sshll.u32 s1, $0xD;
	s1 =	sshrl.u32 s1, $0x2  }
0xb9: {  	s3 =	sand.u32 $0x4000, s31;
	s1 =	sadd.s32 s1, s30  }
0xba: {  	s0 =	sor.u32 s3, s0;
	s1 =	sshll.u32 s1, $0x11  }
0xbb: {  	s0 =	sor.u32 s1, s0  }
0xbc: {  	s0 =	sadd.s32 $0x8F2B, s0  }
0xbd: {  	[sflag:s0] =	ssyncadd.remote.s32 $0x1  }
0xbe: {  	_ =	sfence.sel $0xFFFF  }
0xbf: {  	[dreg:$0x0] =	wrdreg $0xFFFFFFFF;
	(pc) =	sbr.abs _section_cstart, $3  }
0xc0: {  	[dreg:$0x1] =	wrdreg $0xFFFFFFFF  }
0xc1: {  	_ =	task.clear_ibuf [dreg:s6], $0x2FFFF;
	_ =	strace $0x9FFFFFFF  }
0xc2: {  	(tm) =	ssettm $0x7FFFFFFF  }
0xc3: {  	_ =	shalt  }
tec
execute0_lowered:
.L_overlay_start_1:
0x0: {  	(tag) =	ssettag $0x1  }
0x1: {  	s0 =	srdreg.scid;
	s1 =	rddreg [dreg:$0x0]  }
0x2: {  	s10 =	stileid.u32;
	s2 =	rddreg [dreg:$0x1]  }
0x3: {  	s12 =	simm.s32 $0x9;
	s14 =	simm.s32 $0x80;
	s15 =	simm.s32 $0x5000  }
0x4: {  	s16 =	simm.s32 $0x6000;
	s18 =	simm.s32 $0x7000;
	s20 =	simm.s32 $0x8000  }
0x5: {  	s21 =	simm.s32 $0x1;
	s22 =	simm.s32 $0x2;
	s23 =	simm.s32 $0x3  }
0x6: {  	s24 =	simm.s32 $0x4;
	s25 =	simm.s32 $0x5;
	s28 =	simm.s32 $0x7  }
0x7: {  	s29 =	simm.s32 $0x8;
	s31 =	simm.s32 $0x4E80;
	s13 =	simm.s32 $0x0  }
0x8: {  	s0 =	sand.u32 $0x1, s0;
	s6 =	smul.u32 $0x4F00, s10;
	s30 =	sshll.u32 s10, $0x6  }
0x9: {  	s3 =	sshll.u32 s0, $0x4;
	s7 =	ssub.s32 $0x2, s0;
	p0 =	seq.s32 s0, $0x1  }
0xa: {  	s0 =	simm.s32 $0x78200;
	s4 =	sor.u32 s10, s3;
	s3 =	simm.s32 $0x0  }
0xb: {  	s26 =	sshrl.u32 s6, $0x3;
	s9 =	sshrl.u32 s7, $0x1;
	s11 =	sadd.s32 s6, s2  }
0xc: {  	s6 =	sor.u32 $0x1C09, s30;
	s0 =	simm.s32 @!p0 $0x82000;
	s5 =	smul.u32 $0x500, s4  }
0xd: {  	[smem:$0x7FF] =	sst s3;
	s4 =	sadd.s32 $0x6E400, s1;
	s9 =	ssub.s32 s7, s9  }
0xe: {  	s11 =	sshrl.u32 s11, $0x3;
	_ =	strace $0x8000004D;
	s9 =	smax.u32 s9, $0x1  }
0xf: {  	s8 =	sadd.s32 s5, s1;
	s1 =	sadd.s32 s26, s1;
	s26 =	simm.s32 $0x6  }
0x10: {  	s5 =	sadd.s32 $0x9FA00, s1;
	s7 =	sadd.s32 $0x3A00, s8;
	s8 =	sadd.s32 $0xDA00, s8  }
0x11: {  	s10 =	sadd.s32 s0, s1;
	s1 =	simm.s32 $0x4F00;
	s0 =	simm.s32 $0x4F80  }
.LBB2_1:
0x12: {  	[spmem:s11], [sflag:s6] =	dma.local [hbm:s5], $0x9E0  }
0x13: {  	_ =	swait.ge [sflag:s12], $0x9E0  }
0x14: {  	[sflag:s12] =	ssyncset.done $0x0  }
0x15: {  	[sflag:s12] =	ssyncadd.s32 $0xFFFFF620  }
0x16: {  	[tilespmem:s3], [sflag:$0x9] =	stream.linear.gather [hbm4b:s7+s3], $0x2800, $0x38;
	[tilespmem:$0xDF00] =	vst v63  }
0x17: {  	_ =	swait.ge [sflag:s12], $0x2800  }
0x18: {  	[sflag:s12] =	ssyncset.done $0x0  }
0x19: {  	s17 =	simm.s32 $0x2800;
	[sflag:s12] =	ssyncadd.s32 $0xFFFFD800  }
0x1a: {  	[tilespmem:s17], [sflag:$0x9] =	stream.linear.gather [hbm4b:s8+s3], $0x2800, $0x38;
	[tilespmem:$0xDF00] =	vst v63  }
0x1b: {  	_ =	swait.ge [sflag:s12], $0x2800  }
0x1c: {  	[sflag:s12] =	ssyncset.done $0x0  }
0x1d: {  	[sflag:s12] =	ssyncadd.s32 $0xFFFFD800  }
0x1e: {  	[bflag:$0x0] =	sbarrier.arrive $0xFFFF  }
0x1f: {  	[tilespmem:s15], [sflag:$0x1] =	stream.indirect.gather [hbm4b:s4+s14], $0x20, s3, s14, $0xb8;
	[tilespmem:$0xDF00] =	vst v63  }
0x20: {  	_ = 	snop  }
0x21: {  	[tilespmem:s16], [sflag:$0x2] =	stream.indirect.gather [hbm4b:s4+s14], $0x20, s14, s14, $0xb8;
	[tilespmem:$0xDF00] =	vst v63  }
0x22: {  	s30 =	simm.s32 $0x100  }
0x23: {  	[tilespmem:s18], [sflag:$0x3] =	stream.indirect.gather [hbm4b:s4+s14], $0x20, s30, s14, $0xb8;
	[tilespmem:$0xDF00] =	vst v63  }
0x24: {  	s19 =	simm.s32 $0x180  }
0x25: {  	[tilespmem:s20], [sflag:$0x4] =	stream.indirect.gather [hbm4b:s4+s14], $0x20, s19, s14, $0xb8;
	[tilespmem:$0xDF00] =	vst v63  }
0x26: {  	_ =	swait.ge [sflag:s21], $0x1000  }
0x27: {  	[sflag:s21] =	ssyncset.done $0x0  }
0x28: {  	s30 =	simm.s32 $0x2800;
	[sflag:s21] =	ssyncadd.s32 $0xFFFFF000  }
0x29: {  	[spmem:s2] =	stream.indirect.scatter.add.f32 [tilespmem:s15], [sflag:$0x5], $0x20, s30, s14, $0xb8;
	[tilespmem:$0xDF00] =	vst v63  }
0x2a: {  	_ =	swait.ge [sflag:s22], $0x1000  }
0x2b: {  	[sflag:s22] =	ssyncset.done $0x0  }
0x2c: {  	s19 =	simm.s32 $0x2880;
	[sflag:s22] =	ssyncadd.s32 $0xFFFFF000  }
0x2d: {  	[spmem:s2] =	stream.indirect.scatter.add.f32 [tilespmem:s16], [sflag:$0x6], $0x20, s19, s14, $0xb8;
	[tilespmem:$0xDF00] =	vst v63  }
0x2e: {  	_ =	swait.ge [sflag:s23], $0x1000  }
0x2f: {  	[sflag:s23] =	ssyncset.done $0x0  }
0x30: {  	s30 =	simm.s32 $0x2900;
	[sflag:s23] =	ssyncadd.s32 $0xFFFFF000  }
0x31: {  	[spmem:s2] =	stream.indirect.scatter.add.f32 [tilespmem:s18], [sflag:$0x7], $0x20, s30, s14, $0xb8;
	[tilespmem:$0xDF00] =	vst v63  }
0x32: {  	_ =	swait.ge [sflag:s24], $0x1000  }
0x33: {  	[sflag:s24] =	ssyncset.done $0x0  }
0x34: {  	s19 =	simm.s32 $0x2980;
	[sflag:s24] =	ssyncadd.s32 $0xFFFFF000  }
0x35: {  	[spmem:s2] =	stream.indirect.scatter.add.f32 [tilespmem:s20], [sflag:$0x8], $0x20, s19, s14, $0xb8;
	[tilespmem:$0xDF00] =	vst v63  }
0x36: {  	_ =	swait.ge [sflag:s25], $0x1000  }
0x37: {  	[sflag:s25] =	ssyncset.done $0x0  }
0x38: {  	s30 =	simm.s32 $0x200;
	[sflag:s25] =	ssyncadd.s32 $0xFFFFF000  }
0x39: {  	[tilespmem:s15], [sflag:$0x1] =	stream.indirect.gather [hbm4b:s4+s14], $0x20, s30, s14, $0xb8;
	[tilespmem:$0xDF00] =	vst v63  }
0x3a: {  	_ =	swait.ge [sflag:s26], $0x1000  }
0x3b: {  	[sflag:s26] =	ssyncset.done $0x0  }
0x3c: {  	s19 =	simm.s32 $0x280;
	[sflag:s26] =	ssyncadd.s32 $0xFFFFF000  }
0x3d: {  	[tilespmem:s16], [sflag:$0x2] =	stream.indirect.gather [hbm4b:s4+s14], $0x20, s19, s14, $0xb8;
	[tilespmem:$0xDF00] =	vst v63  }
0x3e: {  	_ =	swait.ge [sflag:s28], $0x1000  }
0x3f: {  	[sflag:s28] =	ssyncset.done $0x0  }
0x40: {  	s30 =	simm.s32 $0x300;
	[sflag:s28] =	ssyncadd.s32 $0xFFFFF000  }
0x41: {  	[tilespmem:s18], [sflag:$0x3] =	stream.indirect.gather [hbm4b:s4+s14], $0x20, s30, s14, $0xb8;
	[tilespmem:$0xDF00] =	vst v63  }
0x42: {  	_ =	swait.ge [sflag:s29], $0x1000  }
0x43: {  	[sflag:s29] =	ssyncset.done $0x0  }
0x44: {  	s17 =	simm.s32 $0x800;
	s19 =	simm.s32 $0x380;
	[sflag:s29] =	ssyncadd.s32 $0xFFFFF000  }
.LBB2_2:
0x45: {  	[tilespmem:s20], [sflag:$0x4] =	stream.indirect.gather [hbm4b:s4+s14], $0x20, s19, s14, $0xb8;
	[tilespmem:$0xDF00] =	vst v63  }
0x46: {  	s19 =	smov.u32 s17  }
0x47: {  	p0 =	sne.s32 s17, $0x9000;
	s17 =	sadd.s32 $0x800, s17;
	_ =	swait.ge [sflag:s21], $0x1000  }
0x48: {  	s19 =	sshra.s32 s19, $0x2;
	[sflag:s21] =	ssyncset.done $0x0  }
0x49: {  	s30 =	sadd.s32 $0x2800, s19;
	[sflag:s21] =	ssyncadd.s32 $0xFFFFF000  }
0x4a: {  	[spmem:s2] =	stream.indirect.scatter.add.f32 [tilespmem:s15], [sflag:$0x5], $0x20, s30, s14, $0xb8;
	[tilespmem:$0xDF00] =	vst v63  }
0x4b: {  	_ =	swait.ge [sflag:s22], $0x1000  }
0x4c: {  	[sflag:s22] =	ssyncset.done $0x0  }
0x4d: {  	s30 =	sadd.s32 $0x2880, s19;
	[sflag:s22] =	ssyncadd.s32 $0xFFFFF000  }
0x4e: {  	[spmem:s2] =	stream.indirect.scatter.add.f32 [tilespmem:s16], [sflag:$0x6], $0x20, s30, s14, $0xb8;
	[tilespmem:$0xDF00] =	vst v63  }
0x4f: {  	_ =	swait.ge [sflag:s23], $0x1000  }
0x50: {  	[sflag:s23] =	ssyncset.done $0x0  }
0x51: {  	s30 =	sadd.s32 $0x2900, s19;
	[sflag:s23] =	ssyncadd.s32 $0xFFFFF000  }
0x52: {  	[spmem:s2] =	stream.indirect.scatter.add.f32 [tilespmem:s18], [sflag:$0x7], $0x20, s30, s14, $0xb8;
	[tilespmem:$0xDF00] =	vst v63  }
0x53: {  	_ =	swait.ge [sflag:s24], $0x1000  }
0x54: {  	[sflag:s24] =	ssyncset.done $0x0  }
0x55: {  	s30 =	sadd.s32 $0x2980, s19;
	[sflag:s24] =	ssyncadd.s32 $0xFFFFF000  }
0x56: {  	[spmem:s2] =	stream.indirect.scatter.add.f32 [tilespmem:s20], [sflag:$0x8], $0x20, s30, s14, $0xb8;
	[tilespmem:$0xDF00] =	vst v63  }
0x57: {  	_ =	swait.ge [sflag:s25], $0x1000  }
0x58: {  	[sflag:s25] =	ssyncset.done $0x0  }
0x59: {  	s30 =	sadd.s32 $0x200, s19;
	[sflag:s25] =	ssyncadd.s32 $0xFFFFF000  }
0x5a: {  	[tilespmem:s15], [sflag:$0x1] =	stream.indirect.gather [hbm4b:s4+s14], $0x20, s30, s14, $0xb8;
	[tilespmem:$0xDF00] =	vst v63  }
0x5b: {  	_ =	swait.ge [sflag:s26], $0x1000  }
0x5c: {  	[sflag:s26] =	ssyncset.done $0x0  }
0x5d: {  	s30 =	sadd.s32 $0x280, s19;
	[sflag:s26] =	ssyncadd.s32 $0xFFFFF000  }
0x5e: {  	[tilespmem:s16], [sflag:$0x2] =	stream.indirect.gather [hbm4b:s4+s14], $0x20, s30, s14, $0xb8;
	[tilespmem:$0xDF00] =	vst v63  }
0x5f: {  	_ =	swait.ge [sflag:s28], $0x1000  }
0x60: {  	[sflag:s28] =	ssyncset.done $0x0  }
.Ltmp0:
0x61: {  	s30 =	sadd.s32 $0x300, s19;
	[sflag:s28] =	ssyncadd.s32 $0xFFFFF000;
	(pc) =	sbr.rel @p0 .LBB2_2-.Ltmp0, $4  }
0x62: {  	[tilespmem:s18], [sflag:$0x3] =	stream.indirect.gather [hbm4b:s4+s14], $0x20, s30, s14, $0xb8;
	[tilespmem:$0xDF00] =	vst v63  }
0x63: {  	_ =	swait.ge [sflag:s29], $0x1000  }
0x64: {  	[sflag:s29] =	ssyncset.done $0x0  }
0x65: {  	s19 =	sadd.s32 $0x380, s19;
	[sflag:s29] =	ssyncadd.s32 $0xFFFFF000  }
0x66: {  	[tilespmem:s20], [sflag:$0x4] =	stream.indirect.gather [hbm4b:s4+s14], $0x20, s19, s14, $0xb8;
	[tilespmem:$0xDF00] =	vst v63  }
0x67: {  	_ =	swait.ge [sflag:s21], $0x1000  }
0x68: {  	[sflag:s21] =	ssyncset.done $0x0  }
0x69: {  	s17 =	simm.s32 $0x4E00;
	[sflag:s21] =	ssyncadd.s32 $0xFFFFF000  }
0x6a: {  	[spmem:s2] =	stream.indirect.scatter.add.f32 [tilespmem:s15], [sflag:$0x5], $0x20, s17, s14, $0xb8;
	[tilespmem:$0xDF00] =	vst v63  }
0x6b: {  	_ =	swait.ge [sflag:s22], $0x1000  }
0x6c: {  	[sflag:s22] =	ssyncset.done $0x0  }
0x6d: {  	[sflag:s22] =	ssyncadd.s32 $0xFFFFF000  }
0x6e: {  	[spmem:s2] =	stream.indirect.scatter.add.f32 [tilespmem:s16], [sflag:$0x6], $0x20, s31, s14, $0xb8;
	[tilespmem:$0xDF00] =	vst v63  }
0x6f: {  	_ =	swait.ge [sflag:s23], $0x1000  }
0x70: {  	[sflag:s23] =	ssyncset.done $0x0  }
0x71: {  	[sflag:s23] =	ssyncadd.s32 $0xFFFFF000  }
0x72: {  	[spmem:s2] =	stream.indirect.scatter.add.f32 [tilespmem:s18], [sflag:$0x7], $0x20, s1, s14, $0xb8;
	[tilespmem:$0xDF00] =	vst v63  }
0x73: {  	_ =	swait.ge [sflag:s24], $0x1000  }
0x74: {  	[sflag:s24] =	ssyncset.done $0x0  }
0x75: {  	[sflag:s24] =	ssyncadd.s32 $0xFFFFF000  }
0x76: {  	[spmem:s2] =	stream.indirect.scatter.add.f32 [tilespmem:s20], [sflag:$0x8], $0x20, s0, s14, $0xb8;
	[tilespmem:$0xDF00] =	vst v63  }
0x77: {  	_ =	swait.ge [sflag:s25], $0x1000  }
0x78: {  	[sflag:s25] =	ssyncset.done $0x0  }
0x79: {  	[sflag:s25] =	ssyncadd.s32 $0xFFFFF000  }
0x7a: {  	_ =	swait.ge [sflag:s26], $0x1000  }
0x7b: {  	[sflag:s26] =	ssyncset.done $0x0  }
0x7c: {  	[sflag:s26] =	ssyncadd.s32 $0xFFFFF000  }
0x7d: {  	_ =	swait.ge [sflag:s28], $0x1000  }
0x7e: {  	[sflag:s28] =	ssyncset.done $0x0  }
0x7f: {  	[sflag:s28] =	ssyncadd.s32 $0xFFFFF000  }
0x80: {  	_ =	swait.ge [sflag:s29], $0x1000  }
0x81: {  	s13 =	sadd.s32 $0x1, s13;
	[sflag:s29] =	ssyncset.done $0x0  }
0x82: {  	p0 =	sne.s32 s13, s9;
	[sflag:s29] =	ssyncadd.s32 $0xFFFFF000  }
.Ltmp1:
0x83: {  	[bflag:$0x0] =	sbarrier.arrive $0xFFFF;
	(pc) =	sbr.rel @p0 .LBB2_1-.Ltmp1, $4  }
0x84: {  	[hbm:s10], [sflag:s6] =	dma.local [spmem:s11], $0x9E0  }
0x85: {  	_ =	swait.ge [sflag:s12], $0x9E0  }
0x86: {  	[sflag:s12] =	ssyncset.done $0x0  }
0x87: {  	[sflag:s12] =	ssyncadd.s32 $0xFFFFF620  }
0x88: {  	_ =	sfence.sel $0x180000  }
0x89: {  	[bflag:$0x0] =	sbarrier.arrive $0xFFFF  }
0x8a: {  	_ =	strace $0x9000004D  }
0x8b: {  	s0 =	stileid.u32;
	[bflag:$0x2] =	sbarrier.arrive $0xFFFF  }
0x8c: {  	p0 =	sne.s32 s0, $0x0;
	s0 =	rddreg [dreg:$0x2]  }
0x8d: {  	s0 =	sadd.s32 @!p0 $0x100000, s0  }
0x8e: {  	[sflag:s0] =	ssyncadd.tile.s32 @!p0 $0x1;
	_ =	shalt  }
.Lfunc_end2:
_tile_overlayer_lowered:
.L_overlay_start_2:
0x8f: {  	(tag) =	ssettag $0x2  }
0x90: {  	s0 =	rddreg [dreg:$0x0];
	s2 =	stileid.u32  }
0x91: {  	s1 =	rddreg [dreg:$0x1];
	p0 =	sne.s32 s2, $0x0  }
0x92: {  	s3 =	rddreg [dreg:$0x2];
	[bflag:$0x3] =	sbarrier.arrive $0xFFFF;
	s2 =	simm.s32 @!p0 $0x1C09  }
0x93: {  	[timem:s3], [sflag:s2] =	dma.local @!p0 [hbm:s0], s1  }
0x94: {  	s0 =	simm.s32 @!p0 $0x9  }
0x95: {  	_ =	swait.ge @!p0 [sflag:s0], s1  }
0x96: {  	s1 =	ssub.s32 @!p0 $0x0, s1;
	[sflag:s0] =	ssyncset.done @!p0 $0x0  }
0x97: {  	[sflag:s0] =	ssyncadd.s32 @!p0 s1  }
0x98: {  	[bflag:$0x3] =	sbarrier.arrive $0xFFFF  }
0x99: {  	_ =	shalt  }

// kernel: kernel.8.cloned.1.call-start
scs
__scs_entry_jumppad:
0x0: {  	(pc) =	sbr.rel $0x88, $3  }
0x1: {  	(tag) =	ssettag $0x0;
	lr =	simm.s32 $0x1  }
0x2: {  	[smem:$0x3F96] =	sst lr;
	_ =	strace $0xD0000000  }
0x3: {  	_ = 	snop  }
0x4: {  	_ = 	snop  }
0x5: {  	_ = 	snop  }
0x6: {  	_ = 	snop  }
0x7: {  	_ = 	snop  }
__scs_overlays_trampoline_lowered:
0x8: {  	[smem:$0x3FA5] =	sst s0  }
0x9: {  	[smem:$0x3FA6] =	sst s1  }
0xa: {  	[smem:$0x3FA7] =	sst s2  }
0xb: {  	[smem:$0x3FA8] =	sst s3  }
0xc: {  	[smem:$0x3FA9] =	sst s4  }
0xd: {  	[smem:$0x3FAA] =	sst s5  }
0xe: {  	[smem:$0x3FAB] =	sst s6  }
0xf: {  	[smem:$0x3FAC] =	sst s7  }
0x10: {  	[smem:$0x3FAD] =	sst s8  }
0x11: {  	[smem:$0x3FAE] =	sst s9;
	s0 =	simm.s32 @!p0 $0x0  }
0x12: {  	s1 =	sld [smem:$0x3F94];
	s0 =	simm.s32 @p0 $0x1  }
0x13: {  	[smem:$0x3FAF] =	sst s0;
	s0 =	simm.s32 @!p1 $0x0  }
0x14: {  	s2 =	sld [smem:$0x3F93];
	s0 =	simm.s32 @p1 $0x1  }
0x15: {  	[smem:$0x3FB0] =	sst s0;
	s0 =	simm.s32 @!p2 $0x0  }
0x16: {  	s3 =	sld [smem:$0x3FDB];
	s0 =	simm.s32 @p2 $0x1  }
0x17: {  	s4 =	simm.s32 $0x1BF5;
	[smem:$0x3FB2] =	sst s0  }
0x18: {  	s0 =	sld [smem:$0x3F95];
	_ =	swait.ge [sflag:s4], $0x0  }
0x19: {  	s7 =	sld [smem:$0x3F96]  }
0x1a: {  	s8 =	sadd.s32 $0xFFFFE003, lr  }
0x1b: {  	s9 =	sadd.s32 $0xFFFFFEF7, lr;
	s5 =	simm.s32 $0xFFFFFFFF;
	p2 =	slt.u32 s8, $0xFFFFF086  }
0x1c: {  	p1 =	slt.u32 s9, $0xF7A;
	s5 =	simm.s32 @!p2 $0x0  }
0x1d: {  	s5 =	simm.s32 @p1 $0x1;
	p0 =	seq.s32 s7, s2  }
0x1e: {  	s7 =	smul.u32 @!p0 $0xF7A, s2;
	p2 =	seq.s32 @!p0 s5, $0x0  }
0x1f: {  	s9 =	smul.u32 $0xF7A, s1;
	s8 =	simm.s32 @!p0 $0x1BF5;
	p2 =	por !p2, p0  }
0x20: {  	[sflag:s8] =	ssyncset.s32 @!p0 $0xFFFFF086;
	s6 =	sadd.s32 @!p0 s3, s7;
	s7 =	simm.s32 @!p0 $0x108  }
0x21: {  	s3 =	sadd.s32 s3, s9;
	s6 =	sadd.s32 @!p0 $0x88, s6;
	s7 =	simm.s32 @p2 $0x1082  }
0x22: {  	[simem:s7], [sflag:s8] =	dma.local @!p0 [hbm:s6], $0xF7A  }
0x23: {  	s9 =	sor.u32 $0xD0000000, s2;
	s6 =	simm.s32 $0x108;
	_ =	swait.ge @!p0 [sflag:s8], $0x0  }
0x24: {  	s3 =	sadd.s32 $0x88, s3;
	s6 =	simm.s32 @!p1 $0x1082;
	[sflag:s4] =	ssyncset.s32 $0xFFFFF086  }
0x25: {  	[simem:s6], [sflag:s4] =	dma.local [hbm:s3], $0xF7A  }
0x26: {  	[smem:$0x3F96] =	sst s1;
	(tag) =	ssettag s2;
	_ =	strace s9  }
0x27: {  	s1 =	sld [smem:$0x3FA6]  }
0x28: {  	s2 =	sld [smem:$0x3FA7]  }
0x29: {  	s4 =	sld [smem:$0x3FA9]  }
0x2a: {  	p0 =	seq.s32 s5, $0x0;
	s5 =	sld [smem:$0x3FAA]  }
0x2b: {  	s6 =	sld [smem:$0x3FAB]  }
0x2c: {  	s7 =	sld [smem:$0x3FAC]  }
0x2d: {  	s3 =	simm.s32 $0x108;
	s8 =	sld [smem:$0x3FAD]  }
0x2e: {  	s3 =	simm.s32 @!p0 $0x1082;
	s9 =	sld [smem:$0x3FAE]  }
0x2f: {  	lr =	sadd.s32 s0, s3;
	s0 =	sld [smem:$0x3FA5]  }
0x30: {  	s3 =	sld [smem:$0x3FA8]  }
0x31: {  	[smem:$0x3FB1] =	sst s10  }
0x32: {  	s10 =	sld [smem:$0x3FAF];
	_ =	sdelay $0x3  }
0x33: {  	p0 =	seq.s32 s10, $0x1;
	s10 =	sld [smem:$0x3FB1];
	_ =	sdelay $0x3  }
0x34: {  	[smem:$0x3FB1] =	sst s10  }
0x35: {  	s10 =	sld [smem:$0x3FB0];
	_ =	sdelay $0x3  }
0x36: {  	p1 =	seq.s32 s10, $0x1;
	s10 =	sld [smem:$0x3FB1];
	_ =	sdelay $0x3  }
0x37: {  	[smem:$0x3FB1] =	sst s10  }
0x38: {  	s10 =	sld [smem:$0x3FB2]  }
0x39: {  	_ = 	snop;
	(pc) =	sbr.ind lr, $3  }
0x3a: {  	_ = 	snop  }
0x3b: {  	_ = 	snop  }
0x3c: {  	p2 =	seq.s32 s10, $0x1;
	s10 =	sld [smem:$0x3FB1]  }
0x3d: {  	_ =	shalt  }
0x3e: {  	_ =	shalt  }
0x3f: {  	_ =	shalt  }
0x40: {  	_ =	shalt  }
0x41: {  	_ =	shalt  }
0x42: {  	_ =	shalt  }
0x43: {  	_ =	shalt  }
0x44: {  	_ =	shalt  }
0x45: {  	_ =	shalt  }
0x46: {  	_ =	shalt  }
0x47: {  	_ =	shalt  }
0x48: {  	_ =	shalt  }
0x49: {  	_ =	shalt  }
0x4a: {  	_ =	shalt  }
0x4b: {  	_ =	shalt  }
0x4c: {  	_ =	shalt  }
0x4d: {  	_ =	shalt  }
0x4e: {  	_ =	shalt  }
0x4f: {  	_ =	shalt  }
0x50: {  	_ =	shalt  }
0x51: {  	_ =	shalt  }
0x52: {  	_ =	shalt  }
0x53: {  	_ =	shalt  }
0x54: {  	_ =	shalt  }
0x55: {  	_ =	shalt  }
0x56: {  	_ =	shalt  }
0x57: {  	_ =	shalt  }
0x58: {  	_ =	shalt  }
0x59: {  	_ =	shalt  }
0x5a: {  	_ =	shalt  }
0x5b: {  	_ =	shalt  }
0x5c: {  	_ =	shalt  }
0x5d: {  	_ =	shalt  }
0x5e: {  	_ =	shalt  }
0x5f: {  	_ =	shalt  }
0x60: {  	_ =	shalt  }
0x61: {  	_ =	shalt  }
0x62: {  	_ =	shalt  }
0x63: {  	_ =	shalt  }
0x64: {  	_ =	shalt  }
0x65: {  	_ =	shalt  }
0x66: {  	_ =	shalt  }
0x67: {  	_ =	shalt  }
0x68: {  	_ =	shalt  }
0x69: {  	_ =	shalt  }
0x6a: {  	_ =	shalt  }
0x6b: {  	_ =	shalt  }
0x6c: {  	_ =	shalt  }
0x6d: {  	_ =	shalt  }
0x6e: {  	_ =	shalt  }
0x6f: {  	_ =	shalt  }
0x70: {  	_ =	shalt  }
0x71: {  	_ =	shalt  }
0x72: {  	_ =	shalt  }
0x73: {  	_ =	shalt  }
0x74: {  	_ =	shalt  }
0x75: {  	_ =	shalt  }
0x76: {  	_ =	shalt  }
0x77: {  	_ =	shalt  }
0x78: {  	_ =	shalt  }
0x79: {  	_ =	shalt  }
0x7a: {  	_ =	shalt  }
0x7b: {  	_ =	shalt  }
0x7c: {  	_ =	shalt  }
0x7d: {  	_ =	shalt  }
0x7e: {  	_ =	shalt  }
0x7f: {  	_ =	shalt  }
0x80: {  	_ =	shalt  }
0x81: {  	_ =	shalt  }
0x82: {  	_ =	shalt  }
0x83: {  	_ =	shalt  }
0x84: {  	_ =	shalt  }
0x85: {  	_ =	shalt  }
0x86: {  	_ =	shalt  }
0x87: {  	_ =	shalt  }
.Lfunc_end0:
.L_simem_size_0:
called_computation_lowered:
.L_overlay_start_0:
0x88: {  	s2 =	sld [smem:$0x3FD9]  }
0x89: {  	s3 =	sld [smem:$0x3FFE];
	_ =	sdelay $0x1  }
0x8a: {  	s1 =	srdreg.scid  }
0x8b: {  	s0 =	sand.u32 $0x1, s1  }
0x8c: {  	s16 =	sshll.u32 s0, $0xA;
	s2 =	sadd.s32 s3, s2  }
0x8d: {  	s2 =	sadd.s32 s2, s16  }
0x8e: {  	[smem:$0x3FBD] =	sst s2  }
0x8f: {  	_ = 	snop  }
0x90: {  	(tm) =	ssettm $0x1  }
0x91: {  	s17 =	sld [smem:$0x3FFB];
	_ =	sdelay $0x3  }
0x92: {  	_ =	strace s17  }
0x93: {  	s2 =	sld [smem:$0x3FFC];
	_ =	sdelay $0x3  }
0x94: {  	_ =	strace s2  }
0x95: {  	s2 =	sld [smem:$0x3FFD];
	_ =	sdelay $0x3  }
0x96: {  	_ =	strace s2  }
0x97: {  	_ =	strace $0x8FFFFFFF  }
0x98: {  	s18 =	sld [smem:$0x3FDB];
	_ =	sdelay $0x1  }
0x99: {  	s19 =	simm.s32 $_scs_section_size  }
0x9a: {  	s4 =	simm.s32 $_size__tile_overlayer_lowered;
	s5 =	simm.s32 $_tile_overlayer_lowered  }
0x9b: {  	s22 =	simm.s32 $0x1BFF;
	s21 =	sshll.u32 s5, $0x1;
	s2 =	sadd.s32 s19, s18  }
0x9c: {  	s6 =	simm.s32 $0x0;
	s20 =	sshll.u32 s4, $0x1;
	s4 =	sadd.s32 s21, s2  }
0x9d: {  	[timem:s6], [sflag:s22] =	dma.local [hbm:s4], s20  }
0x9e: {  	_ =	swait.ge [sflag:s22], s20  }
0x9f: {  	s3 =	ssub.s32 $0x0, s20;
	[sflag:s22] =	ssyncset.done $0x0  }
0xa0: {  	[sflag:s22] =	ssyncadd.s32 s3;
	_ =	sdelay $0x1  }
0xa1: {  	s23 =	simm.s32 $0x1B8B  }
0xa2: {  	_ =	swait.ge [sflag:s23], $0x1  }
0xa3: {  	[sflag:s23] =	ssyncset.done $0x0  }
0xa4: {  	s25 =	simm.s32 $0x1B8E;
	s24 =	sld [smem:$0x3FFE];
	[sflag:s23] =	ssyncadd.s32 $0xFFFFFFFF  }
0xa5: {  	s26 =	simm.s32 $execute0_lowered;
	[smem:$0x3FD2] =	sst s25  }
0xa6: {  	s4 =	sshll.u32 s26, $0x1;
	_ =	strace $0x80000046;
	[dreg:$0x1] =	wrdreg $0xFFFFFFFF  }
0xa7: {  	s28 =	simm.s32 $_size_execute0_lowered;
	s2 =	sadd.s32 s2, s4;
	[dreg:$0x0] =	wrdreg $0x0  }
0xa8: {  	s4 =	sshll.u32 s28, $0x1;
	[dreg:$0x2] =	wrdreg s2  }
0xa9: {  	[dreg:$0x3] =	wrdreg s4  }
0xaa: {  	[dreg:$0x4] =	wrdreg $0xC0  }
0xab: {  	_ =	task [dreg:s6], $0x5FFFF  }
0xac: {  	[dreg:$0x1] =	wrdreg $0xFFFFFFFF  }
0xad: {  	[dreg:$0x0] =	wrdreg $0x60  }
0xae: {  	[dreg:$0x2] =	wrdreg s24  }
0xaf: {  	[dreg:$0x3] =	wrdreg $0x2C000  }
0xb0: {  	[dreg:$0x4] =	wrdreg $0x9  }
0xb1: {  	_ =	task.clear_ibuf [dreg:s6], $0x5FFFF;
	_ =	strace $0x90000046  }
0xb2: {  	s29 =	simm.s32 $0x9;
	_ =	strace $0x80000048  }
0xb3: {  	_ =	swait.ge [sflag:s29], $0x1  }
0xb4: {  	[sflag:s29] =	ssyncadd.s32 $0xFFFFFFFF  }
0xb5: {  	_ =	strace $0x90000048  }
0xb6: {  	_ =	sfence  }
0xb7: {  	s30 =	sld [smem:$0x0];
	_ =	sdelay $0x2  }
0xb8: {  	s31 =	sshll.u32 s1, $0xD;
	s1 =	sshrl.u32 s1, $0x2  }
0xb9: {  	s3 =	sand.u32 $0x4000, s31;
	s1 =	sadd.s32 s1, s30  }
0xba: {  	s0 =	sor.u32 s3, s0;
	s1 =	sshll.u32 s1, $0x11  }
0xbb: {  	s0 =	sor.u32 s1, s0  }
0xbc: {  	s0 =	sadd.s32 $0x8F2B, s0  }
0xbd: {  	[sflag:s0] =	ssyncadd.remote.s32 $0x1  }
0xbe: {  	_ =	sfence.sel $0xFFFF  }
0xbf: {  	[dreg:$0x0] =	wrdreg $0xFFFFFFFF;
	(pc) =	sbr.abs _section_cstart, $3  }
0xc0: {  	[dreg:$0x1] =	wrdreg $0xFFFFFFFF  }
0xc1: {  	_ =	task.clear_ibuf [dreg:s6], $0x2FFFF;
	_ =	strace $0x9FFFFFFF  }
0xc2: {  	(tm) =	ssettm $0x7FFFFFFF  }
0xc3: {  	_ =	shalt  }
tec
execute0_lowered:
.L_overlay_start_1:
0x0: {  	(tag) =	ssettag $0x1  }
0x1: {  	s4 =	rddreg [dreg:$0x0]  }
0x2: {  	s0 =	srdreg.scid;
	s2 =	rddreg [dreg:$0x1]  }
0x3: {  	s1 =	stileid.u32;
	s3 =	simm.s32 $0x0;
	s13 =	simm.s32 $0x80  }
0x4: {  	s14 =	simm.s32 $0x1;
	s5 =	sand.u32 $0x1, s0;
	s0 =	rddreg [dreg:$0x2]  }
0x5: {  	s15 =	simm.s32 $0x0;
	s7 =	smul.u32 $0x13C0, s1;
	[smem:$0x7FF] =	sst s3  }
0x6: {  	s31 =	sshll.u32 s1, $0x6;
	s6 =	sshll.u32 s5, $0x4;
	_ =	strace $0x80000047  }
0x7: {  	s9 =	ssub.s32 $0x2, s5;
	p0 =	seq.s32 s5, $0x1;
	s6 =	sor.u32 s1, s6  }
0x8: {  	s8 =	sshrl.u32 s7, $0x3;
	s29 =	sshrl.u32 s9, $0x1;
	s6 =	smul.u32 $0x500, s6  }
0x9: {  	s11 =	sadd.s32 s8, s4;
	s30 =	ssub.s32 s9, s29;
	s9 =	simm.s32 $0x1A400  }
0xa: {  	s12 =	sadd.s32 s7, s2;
	s5 =	sadd.s32 $0x17A00, s11;
	s9 =	simm.s32 @!p0 $0x1CC00  }
0xb: {  	s8 =	smax.u32 s30, $0x1;
	s10 =	sadd.s32 s6, s4;
	s4 =	sadd.s32 $0x1A200, s4  }
0xc: {  	s6 =	sor.u32 $0x1C02, s31;
	s9 =	sadd.s32 s9, s11;
	s11 =	simm.s32 $0x2  }
0xd: {  	s7 =	sadd.s32 $0xDA00, s10;
	s10 =	sshrl.u32 s12, $0x3;
	s12 =	simm.s32 $0x2800  }
.LBB2_1:
0xe: {  	[spmem:s10], [sflag:s6] =	dma.local [hbm:s5], $0x278  }
0xf: {  	_ =	swait.ge [sflag:s11], $0x278  }
0x10: {  	[sflag:s11] =	ssyncset.done $0x0  }
0x11: {  	[sflag:s11] =	ssyncadd.s32 $0xFFFFFD88  }
0x12: {  	[tilespmem:s12], [sflag:$0x2] =	stream.linear.gather [hbm4b:s4+s3], $0x400, $0x38;
	[tilespmem:$0x3FC0] =	vst v63  }
0x13: {  	_ =	swait.ge [sflag:s11], $0x400  }
0x14: {  	[sflag:s11] =	ssyncset.done $0x0  }
0x15: {  	[sflag:s11] =	ssyncadd.s32 $0xFFFFFC00  }
0x16: {  	[tilespmem:s3], [sflag:$0x2] =	stream.linear.gather [hbm4b:s7+s3], $0x2800, $0x38;
	[tilespmem:$0x3FC0] =	vst v63  }
0x17: {  	_ =	swait.ge [sflag:s11], $0x2800  }
0x18: {  	[sflag:s11] =	ssyncset.done $0x0  }
0x19: {  	[sflag:s11] =	ssyncadd.s32 $0xFFFFD800  }
0x1a: {  	s16 =	simm.s32 $0x0;
	[bflag:$0x0] =	sbarrier.arrive $0xFFFF  }
.LBB2_2:
0x1b: {  	p0 =	sne.s32 s16, $0x9E00  }
.Ltmp0:
0x1c: {  	_ = 	snop;
	(pc) =	sbr.rel @p0 .LBB2_2-.Ltmp0, $3  }
0x1d: {  	_ =	sdelay $0x1  }
0x1e: {  	s17 =	sshra.s32 s16, $0x2;
	s16 =	sadd.s32 $0x200, s16  }
0x1f: {  	[spmem:s2] =	stream.indirect.scatter.add.f32 [tilespmem:s12], [sflag:$0x1], $0x8, s17, s13, $0xb8;
	[tilespmem:$0x3FC0] =	vst v63  }
0x20: {  	_ =	swait.ge [sflag:s14], $0x400  }
0x21: {  	s16 =	simm.s32 $0x4F;
	[sflag:s14] =	ssyncset.done $0x0  }
.LBB2_4:
0x22: {  	p0 =	sne.s32 s16, $0x1;
	s16 =	sadd.s32 $0xFFFFFFFF, s16;
	[sflag:s14] =	ssyncadd.s32 $0xFFFFFC00  }
.Ltmp1:
0x23: {  	(pc) =	sbr.rel @p0 .LBB2_4-.Ltmp1, $3  }
0x24: {  	_ =	sdelay $0x1  }
0x25: {  	_ =	swait.ge [sflag:s14], $0x400  }
0x26: {  	[sflag:s14] =	ssyncset.done $0x0  }
0x27: {  	s15 =	sadd.s32 $0x1, s15  }
0x28: {  	[sflag:s14] =	ssyncadd.s32 $0xFFFFFC00;
	p0 =	sne.s32 s15, s8  }
.Ltmp2:
0x29: {  	[bflag:$0x0] =	sbarrier.arrive $0xFFFF;
	(pc) =	sbr.rel @p0 .LBB2_1-.Ltmp2, $4  }
0x2a: {  	[hbm:s9], [sflag:s6] =	dma.local [spmem:s10], $0x278  }
0x2b: {  	_ =	swait.ge [sflag:s11], $0x278  }
0x2c: {  	[sflag:s11] =	ssyncset.done $0x0  }
0x2d: {  	[sflag:s11] =	ssyncadd.s32 $0xFFFFFD88  }
0x2e: {  	_ =	sfence.sel $0x180000  }
0x2f: {  	[bflag:$0x0] =	sbarrier.arrive $0xFFFF  }
0x30: {  	p0 =	sne.s32 s1, $0x0;
	_ =	strace $0x90000047  }
0x31: {  	s0 =	sadd.s32 @!p0 $0x100000, s0;
	[bflag:$0x2] =	sbarrier.arrive $0xFFFF  }
0x32: {  	[sflag:s0] =	ssyncadd.tile.s32 @!p0 $0x1;
	_ =	shalt  }
.Lfunc_end2:
_tile_overlayer_lowered:
.L_overlay_start_2:
0x33: {  	(tag) =	ssettag $0x2  }
0x34: {  	s0 =	rddreg [dreg:$0x0];
	s2 =	stileid.u32  }
0x35: {  	s1 =	rddreg [dreg:$0x1];
	p0 =	sne.s32 s2, $0x0  }
0x36: {  	s3 =	rddreg [dreg:$0x2];
	[bflag:$0x3] =	sbarrier.arrive $0xFFFF;
	s2 =	simm.s32 @!p0 $0x1C02  }
0x37: {  	[timem:s3], [sflag:s2] =	dma.local @!p0 [hbm:s0], s1  }
0x38: {  	s0 =	simm.s32 @!p0 $0x2  }
0x39: {  	_ =	swait.ge @!p0 [sflag:s0], s1  }
0x3a: {  	s1 =	ssub.s32 @!p0 $0x0, s1;
	[sflag:s0] =	ssyncset.done @!p0 $0x0  }
0x3b: {  	[sflag:s0] =	ssyncadd.s32 @!p0 s1  }
0x3c: {  	[bflag:$0x3] =	sbarrier.arrive $0xFFFF  }
0x3d: {  	_ =	shalt  }

</sc_bundles>
